<compile_context>
chip_gen: v7x
topology: tpu7x:2x2x1
jax: 0.10.2.dev20260603
libtpu: 0.0.44.dev20260713+nightly
codegen_flags: <defaults>
</compile_context>

<pallas_src>
import functools

import jax
import jax.numpy as jnp
from jax import lax
from jax.experimental import pallas as pl
from jax.experimental.pallas import tpu as pltpu
from jax.experimental.pallas import tpu_sc as plsc

_F32 = jnp.float32


_BF = jnp.bfloat16


def _dotT(x, w):
    return lax.dot_general(x.astype(_BF), w.astype(_BF), (((1,), (1,)), ((), ())),
                           preferred_element_type=_F32)


def _dot(x, w):
    return lax.dot_general(x.astype(_BF), w.astype(_BF), (((1,), (0,)), ((), ())),
                           preferred_element_type=_F32)


def _full_spec(shape):
    nd = len(shape)
    return pl.BlockSpec(shape, lambda i, _nd=nd: (0,) * _nd)


def _mlp4(x, w1, b1, w2, b2, w3, b3, w4, b4, blk):
    n, d_in = x.shape
    d_out = w4.shape[0]
    grid = n // blk

    def body(x_ref, w1r, b1r, w2r, b2r, w3r, b3r, w4r, b4r, o_ref):
        h = jnp.maximum(_dotT(x_ref[...], w1r[...]) + b1r[...], 0.0)
        h = jnp.maximum(_dotT(h, w2r[...]) + b2r[...], 0.0)
        h = jnp.maximum(_dotT(h, w3r[...]) + b3r[...], 0.0)
        o_ref[...] = _dotT(h, w4r[...]) + b4r[...]

    return pl.pallas_call(
        body,
        grid=(grid,),
        in_specs=[
            pl.BlockSpec((blk, d_in), lambda i: (i, 0)),
            _full_spec(w1.shape), _full_spec(b1.shape),
            _full_spec(w2.shape), _full_spec(b2.shape),
            _full_spec(w3.shape), _full_spec(b3.shape),
            _full_spec(w4.shape), _full_spec(b4.shape),
        ],
        out_specs=pl.BlockSpec((blk, d_out), lambda i: (i, 0)),
        out_shape=jax.ShapeDtypeStruct((n, d_out), _F32),
    )(x, w1, b1, w2, b2, w3, b3, w4, b4)


_IMAX = 2147483647


def _vq(enc_x, x2, emb, e2, eblk=2048):
    n, d = enc_x.shape
    ne = emb.shape[0]
    grid = ne // eblk

    def body(x_ref, x2_ref, e_ref, e2_ref, idx_ref, loss_ref, mmin, marg):
        j = pl.program_id(0)
        xet = _dotT(x_ref[...], e_ref[...])
        scores = (x2_ref[...] + e2_ref[...]) - 2.0 * xet
        ids = lax.broadcasted_iota(jnp.int32, scores.shape, 1) + j * eblk
        s1 = jnp.min(scores, axis=1, keepdims=True)
        i1 = jnp.min(jnp.where(scores == s1, ids, _IMAX), axis=1, keepdims=True)

        @pl.when(j == 0)
        def _():
            mmin[...] = s1
            marg[...] = i1

        @pl.when(j > 0)
        def _():
            better = s1 < mmin[...]
            mmin[...] = jnp.where(better, s1, mmin[...])
            marg[...] = jnp.where(better, i1, marg[...])

        @pl.when(j == grid - 1)
        def _():
            idx_ref[...] = marg[...]
            loss_ref[...] = jnp.sum(mmin[...], keepdims=True)

    return pl.pallas_call(
        body,
        grid=(grid,),
        in_specs=[
            _full_spec(enc_x.shape),
            _full_spec((n, 1)),
            pl.BlockSpec((eblk, d), lambda j: (j, 0)),
            pl.BlockSpec((1, eblk), lambda j: (0, j)),
        ],
        out_specs=[pl.BlockSpec((n, 1), lambda j: (0, 0)),
                   pl.BlockSpec((1, 1), lambda j: (0, 0))],
        out_shape=[jax.ShapeDtypeStruct((n, 1), jnp.int32),
                   jax.ShapeDtypeStruct((1, 1), _F32)],
        scratch_shapes=[pltpu.VMEM((n, 1), _F32),
                        pltpu.VMEM((n, 1), jnp.int32)],
    )(enc_x, x2, emb, e2)


def _sc_gather(table, idx):
    info = plsc.get_sparse_core_info()
    nw = info.num_cores * info.num_subcores
    n = idx.shape[0]
    d = table.shape[1]
    bpw = n // nw
    mesh = plsc.VectorSubcoreMesh(core_axis_name="c", subcore_axis_name="s")

    @functools.partial(
        pl.kernel, mesh=mesh,
        out_type=jax.ShapeDtypeStruct((n, d), _F32),
        compiler_params=pltpu.CompilerParams(use_tc_tiling_on_sc=False),
        scratch_types=[
            pltpu.VMEM((bpw,), jnp.int32),
            pltpu.VMEM((bpw, d), _F32),
            pltpu.SemaphoreType.DMA,
        ],
    )
    def k(table_hbm, idx_hbm, out_hbm, idx_v, rows_v, sem):
        wid = lax.axis_index("s") * info.num_cores + lax.axis_index("c")
        base = wid * bpw
        pltpu.sync_copy(idx_hbm.at[pl.ds(base, bpw)], idx_v)
        pltpu.async_copy(table_hbm.at[idx_v], rows_v, sem).wait()
        pltpu.sync_copy(rows_v, out_hbm.at[pl.ds(base, bpw)])

    return k(table, idx)


def _dec_obs(con, xi0, tsi, h_, dec_t, w1c, w1t, w1x, b1, w2, b2, w3, b3, w4, b4,
             bb=64):
    n, _ = con.shape
    d_out = w4.shape[0]
    grid = n // bb
    rows = bb * h_

    def body(con_ref, xi0_ref, tsi_ref, dt_ref, w1cr, w1tr, w1xr, b1r,
             w2r, b2r, w3r, b3r, w4r, b4r, o_ref):
        oh = (tsi_ref[...] == lax.broadcasted_iota(jnp.int32, (rows, h_ + 1), 1)
              ).astype(_F32)
        rep = (lax.broadcasted_iota(jnp.int32, (rows, bb), 0) // h_
               == lax.broadcasted_iota(jnp.int32, (rows, bb), 1)
               ).astype(_F32)
        m = jnp.concatenate([oh, rep], axis=1)
        ttab = _dotT(dt_ref[...], w1tr[...])
        base = (_dotT(con_ref[...], w1cr[...])
                + _dotT(xi0_ref[...], w1xr[...]) + b1r[...])
        s = jnp.concatenate([ttab, base], axis=0)
        h = jnp.maximum(_dot(m, s), 0.0)
        h = jnp.maximum(_dotT(h, w2r[...]) + b2r[...], 0.0)
        h = jnp.maximum(_dotT(h, w3r[...]) + b3r[...], 0.0)
        o_ref[...] = _dotT(h, w4r[...]) + b4r[...]

    return pl.pallas_call(
        body,
        grid=(grid,),
        in_specs=[
            pl.BlockSpec((bb, con.shape[1]), lambda i: (i, 0)),
            pl.BlockSpec((bb, xi0.shape[1]), lambda i: (i, 0)),
            pl.BlockSpec((rows, 1), lambda i: (i, 0)),
            _full_spec(dec_t.shape),
            _full_spec(w1c.shape), _full_spec(w1t.shape), _full_spec(w1x.shape),
            _full_spec(b1.shape),
            _full_spec(w2.shape), _full_spec(b2.shape),
            _full_spec(w3.shape), _full_spec(b3.shape),
            _full_spec(w4.shape), _full_spec(b4.shape),
        ],
        out_specs=pl.BlockSpec((rows, d_out), lambda i: (i, 0)),
        out_shape=jax.ShapeDtypeStruct((n * h_, d_out), _F32),
    )(con, xi0, tsi, dec_t, w1c, w1t, w1x, b1, w2, b2, w3, b3, w4, b4)


def kernel(inputx, inputts, conp, obsp, actp, transip, params):
    p = params
    b, h, t = inputx.shape
    obs_d = 64
    conpf = jnp.asarray(conp, _F32)
    obspf = jnp.asarray(obsp, _F32)
    actpf = jnp.asarray(actp, _F32)
    transipf = jnp.asarray(transip, _F32)

    def wb(name):
        return p[name]["W"], p[name]["b"].reshape(1, -1)

    xpt = jnp.concatenate([inputx[:, :, :obs_d], inputx[:, :, -1:]], axis=-1)
    xin = xpt.reshape(b, -1)
    w1, b1 = wb("enc_1"); w2, b2 = wb("enc_2"); w3, b3 = wb("enc_3"); w4, b4 = wb("enc_4")
    enc_x = _mlp4(xin, w1, b1, w2, b2, w3, b3, w4, b4, blk=512)

    emb = p["embeddings"]
    x2 = jnp.sum(enc_x ** 2, axis=1, keepdims=True)
    e2 = jnp.sum(emb ** 2, axis=1).reshape(1, -1)
    idx2d, loss_sum = _vq(enc_x, x2, emb, e2)
    quantized = _sc_gather(emb, idx2d.reshape(b))
    con = quantized
    loss = (loss_sum[0, 0] / (b * enc_x.shape[1])) * conpf

    actx = jnp.concatenate([inputx[:, :-1, :obs_d], inputx[:, 1:, :obs_d]],
                           axis=-1).reshape(b * (h - 1), 2 * obs_d)
    w1, b1 = wb("act_1"); w2, b2 = wb("act_2"); w3, b3 = wb("act_3"); w4, b4 = wb("act_4")
    act = _mlp4(actx, w1, b1, w2, b2, w3, b3, w4 * actpf, b4 * actpf, blk=1024)
    act = act.reshape(b, h - 1, w4.shape[0])

    tm = p["transi"][0]
    tx = inputx.reshape(b * h, t)
    transi = _mlp4(tx, tm[0]["W"], tm[0]["b"].reshape(1, -1),
                   tm[1]["W"], tm[1]["b"].reshape(1, -1),
                   tm[2]["W"], tm[2]["b"].reshape(1, -1),
                   tm[3]["W"] * transipf, tm[3]["b"].reshape(1, -1) * transipf,
                   blk=1024)
    transi = transi.reshape(b, h, tm[3]["W"].shape[0])

    w1d = p["dec_obs_1"]["W"]
    w1c, w1t, w1x = w1d[:, :obs_d], w1d[:, obs_d:obs_d + 5], w1d[:, obs_d + 5:]
    b1 = p["dec_obs_1"]["b"].reshape(1, -1)
    w2, b2 = wb("dec_obs_2"); w3, b3 = wb("dec_obs_3"); w4, b4 = wb("dec_obs_4")
    xi0 = jnp.concatenate([inputx[:, 0, :obs_d], inputx[:, 0, -1:]], axis=-1)
    tsi = jnp.maximum(inputts - inputts[:, :1] + 1, 0).reshape(b * h, 1)
    obs = _dec_obs(con, xi0, tsi, h, p["dec_t"], w1c, w1t, w1x, b1,
                   w2, b2, w3, b3, w4 * obspf, b4 * obspf)
    obs = obs.reshape(b, h, w4.shape[0])

    return (con, loss, obs, act, (transi,), enc_x)

# --- scband reference (transcript-rebuilt; emitter-appended) ---
"""Pipeline reference for scband-traj-encoder-79147657330867 (READ-ONLY COPY).

The authoritative reference and input builder live on the scoring server;
editing this copy changes nothing except your own understanding.
"""

import jax, jax.numpy as jnp
import numpy as np

H = 16
OBS = 64
ACT = 16
CTX = 64
EMBT = 5
HID = 512
NE = 4096 * (H - 1)
B = 1024
T = OBS + ACT + 1


def _linear(p, x):
    return x @ p["W"].T + p["b"]


def setup_inputs(seed: int = 0):
    key = jax.random.key(seed)
    ks = jax.random.split(key, 32)
    inputx = jax.random.normal(ks[0], (B, H, T), dtype=jnp.float32)
    inputts = jnp.sort(jax.random.randint(ks[1], (B, H), 0, H), axis=-1)

    def lin(i, out_d, in_d):
        return {"W": jax.random.normal(ks[i], (out_d, in_d), dtype=jnp.float32) * 0.02,
                "b": jnp.zeros((out_d,), jnp.float32)}

    params = {
        "enc_1": lin(2, HID, H * (OBS + 1)),
        "enc_2": lin(3, HID, HID),
        "enc_3": lin(4, HID, HID),
        "enc_4": lin(5, CTX, HID),
        "dec_t": jax.random.normal(ks[6], (H + 1, EMBT), dtype=jnp.float32) * 0.02,
        "dec_obs_1": lin(7, HID, CTX + EMBT + OBS + 1),
        "dec_obs_2": lin(8, HID, HID),
        "dec_obs_3": lin(9, HID, HID),
        "dec_obs_4": lin(10, OBS + 1, HID),
        "act_1": lin(11, HID, OBS * 2),
        "act_2": lin(12, HID, HID),
        "act_3": lin(13, HID, HID),
        "act_4": lin(14, ACT, HID),
        "transi": [[lin(15, HID, T), lin(16, HID, HID), lin(17, HID, HID), lin(18, OBS + 1, HID)]],
    }
    a = float(np.sqrt(6.0 / (NE + CTX)))
    params["embeddings"] = jax.random.uniform(ks[19], (NE, CTX), minval=-a, maxval=a, dtype=jnp.float32)
    return {"inputx": inputx, "inputts": inputts, "conp": 1, "obsp": 1, "actp": 1, "transip": 1, "params": params}


def reference(inputx, inputts, conp, obsp, actp, transip, params):
    loss = 0.0
    xpt = jnp.concatenate([inputx[:, :, :OBS], inputx[:, :, -1:]], axis=-1)
    x = xpt.reshape(xpt.shape[0], -1)
    x = jax.nn.relu(_linear(params["enc_1"], x))
    x = jax.nn.relu(_linear(params["enc_2"], x))
    x = jax.nn.relu(_linear(params["enc_3"], x))
    enc_x = _linear(params["enc_4"], x)
    emb = params["embeddings"]
    distances = (jnp.sum(enc_x ** 2, axis=1, keepdims=True)
                 + jnp.sum(emb ** 2, axis=1)
                 - 2.0 * enc_x @ emb.T)
    encoding_indices = jnp.argmin(distances, axis=1)
    quantized = jnp.take(emb, encoding_indices, axis=0)
    loss = jnp.mean((enc_x - jax.lax.stop_gradient(quantized)) ** 2)
    loss = loss * jnp.asarray(conp, loss.dtype)
    con = enc_x + jax.lax.stop_gradient(quantized - enc_x)
    x = jnp.repeat(con[:, None, :], H, axis=1)
    ts_idx = jnp.maximum(inputts - inputts[:, :1] + 1, 0)
    ts = jnp.take(params["dec_t"], ts_idx, axis=0)
    xi0 = jnp.concatenate([inputx[:, :1, :OBS], inputx[:, :1, -1:]], axis=-1)
    xi0 = jnp.repeat(xi0, H, axis=1)
    x = jnp.concatenate([x, ts, xi0], axis=-1)
    x = jax.nn.relu(_linear(params["dec_obs_1"], x))
    x = jax.nn.relu(_linear(params["dec_obs_2"], x))
    x = jax.nn.relu(_linear(params["dec_obs_3"], x))
    obs = _linear(params["dec_obs_4"], x)
    obs = obs * jnp.asarray(obsp, obs.dtype)
    act_x = jnp.concatenate([inputx[:, :-1, :OBS], inputx[:, 1:, :OBS]], axis=-1)
    act_x = jax.nn.relu(_linear(params["act_1"], act_x))
    act_x = jax.nn.relu(_linear(params["act_2"], act_x))
    act_x = jax.nn.relu(_linear(params["act_3"], act_x))
    act = _linear(params["act_4"], act_x)
    act = act * jnp.asarray(actp, act.dtype)
    transiss = []
    for tm in params["transi"]:
        h = jax.nn.relu(_linear(tm[0], inputx))
        h = jax.nn.relu(_linear(tm[1], h))
        h = jax.nn.relu(_linear(tm[2], h))
        out = _linear(tm[3], h)
        transiss.append(out * jnp.asarray(transip, out.dtype))
    return (con, loss, obs, act, tuple(transiss), enc_x)

if __name__ == "__main__":
    import jax
    _d = setup_inputs()
    print(jax.jit(kernel)(*tuple(_d.values())))

</pallas_src>

<mosaic_0001>
#map = affine_map<(d0, d1) -> (0, 0)>
#map1 = affine_map<(d0, d1) -> (0)>
module attributes {stable_mosaic.version = 14 : i64} {
  func.func @k(%arg0: i32, %arg1: i32, %arg2: memref<61440x64xf32, #tpu.memory_space<hbm>>, %arg3: memref<1024xi32, #tpu.memory_space<hbm>>, %arg4: memref<1024x64xf32, #tpu.memory_space<hbm>>, %arg5: memref<32xi32, #tpu.memory_space<vmem>>, %arg6: memref<32x64xf32, #tpu.memory_space<vmem>>, %arg7: memref<!tpu.dma_semaphore, #tpu.memory_space<semaphore_mem>>) attributes {dimension_semantics = [#tpu.dimension_semantics<core_parallel>, #tpu.dimension_semantics<subcore_parallel>], iteration_bounds = array<i64: 2, 16>, scalar_prefetch = 0 : i64, scratch_operands = 3 : i64, tpu.core_type = #tpu.core_type<sc_vector_subcore>, window_params = [{transform_indices = #map}, {transform_indices = #map1}, {transform_indices = #map}]} {
    %mul3A = arith.constant 2 : i32
    %mul3A_0 = arith.muli %arg1, %mul3A : i32
    %add3A = arith.addi %mul3A_0, %arg0 : i32
    %mul3A_1 = arith.constant 32 : i32
    %mul3A_2 = arith.muli %add3A, %mul3A_1 : i32
    "tpu.region"() ({
      %run_scoped3A = tpu.sem_alloc : memref<!tpu.dma_semaphore, #tpu.memory_space<semaphore_mem>>
      %dma_start3A_7 = tpu.memref_slice %arg3[%mul3A_2] : memref<1024xi32, #tpu.memory_space<hbm>> -> memref<32xi32, #tpu.memory_space<hbm>>
      %dma_start3A_8 = tpu.memref_slice %arg3[%mul3A_2] : memref<1024xi32, #tpu.memory_space<hbm>> -> memref<32xi32, #tpu.memory_space<hbm>>
      tpu.enqueue_dma source(%dma_start3A_8 : memref<32xi32, #tpu.memory_space<hbm>>) target(%arg5 : memref<32xi32, #tpu.memory_space<vmem>>) target_semaphore(%run_scoped3A : memref<!tpu.dma_semaphore, #tpu.memory_space<semaphore_mem>>)
      %dma_wait3A_9 = tpu.memref_slice %arg3[%mul3A_2] : memref<1024xi32, #tpu.memory_space<hbm>> -> memref<32xi32, #tpu.memory_space<hbm>>
      %dma_wait3A_10 = tpu.memref_slice %arg3[%mul3A_2] : memref<1024xi32, #tpu.memory_space<hbm>> -> memref<32xi32, #tpu.memory_space<hbm>>
      tpu.wait_dma2 semaphore(%run_scoped3A : memref<!tpu.dma_semaphore, #tpu.memory_space<semaphore_mem>>) src(%dma_wait3A_10 : memref<32xi32, #tpu.memory_space<hbm>>) dst(%arg5 : memref<32xi32, #tpu.memory_space<vmem>>)
      tpu.yield
    }) : () -> ()
    %dma_start3A = arith.constant 0 : i32
    %dma_start3A_3 = arith.constant 0 : i32
    %dma_start3A_4 = tpu.memref_slice %arg2[%dma_start3A, %dma_start3A_3] : memref<61440x64xf32, #tpu.memory_space<hbm>> -> memref<61440x64xf32, #tpu.memory_space<hbm>>
    tpu.enqueue_indirect_dma source(%dma_start3A_4 : memref<61440x64xf32, #tpu.memory_space<hbm>>) target(%arg6 : memref<32x64xf32, #tpu.memory_space<vmem>>) offsets(%arg5 : memref<32xi32, #tpu.memory_space<vmem>>) semaphore(%arg7 : memref<!tpu.dma_semaphore, #tpu.memory_space<semaphore_mem>>)
    %dma_wait3A = arith.constant 0 : i32
    %dma_wait3A_5 = arith.constant 0 : i32
    %dma_wait3A_6 = tpu.memref_slice %arg2[%dma_wait3A, %dma_wait3A_5] : memref<61440x64xf32, #tpu.memory_space<hbm>> -> memref<61440x64xf32, #tpu.memory_space<hbm>>
    tpu.wait_indirect_dma semaphore(%arg7 : memref<!tpu.dma_semaphore, #tpu.memory_space<semaphore_mem>>) src(%dma_wait3A_6 : memref<61440x64xf32, #tpu.memory_space<hbm>>) dst(%arg6 : memref<32x64xf32, #tpu.memory_space<vmem>>)
    "tpu.region"() ({
      %run_scoped3A = tpu.sem_alloc : memref<!tpu.dma_semaphore, #tpu.memory_space<semaphore_mem>>
      %dma_start3A_7 = arith.constant 0 : i32
      %dma_start3A_8 = tpu.memref_slice %arg4[%mul3A_2, %dma_start3A_7] : memref<1024x64xf32, #tpu.memory_space<hbm>> -> memref<32x64xf32, #tpu.memory_space<hbm>>
      %dma_start3A_9 = arith.constant 0 : i32
      %dma_start3A_10 = tpu.memref_slice %arg4[%mul3A_2, %dma_start3A_9] : memref<1024x64xf32, #tpu.memory_space<hbm>> -> memref<32x64xf32, #tpu.memory_space<hbm>>
      tpu.enqueue_dma source(%arg6 : memref<32x64xf32, #tpu.memory_space<vmem>>) target(%dma_start3A_10 : memref<32x64xf32, #tpu.memory_space<hbm>>) target_semaphore(%run_scoped3A : memref<!tpu.dma_semaphore, #tpu.memory_space<semaphore_mem>>)
      %dma_wait3A_11 = arith.constant 0 : i32
      %dma_wait3A_12 = tpu.memref_slice %arg4[%mul3A_2, %dma_wait3A_11] : memref<1024x64xf32, #tpu.memory_space<hbm>> -> memref<32x64xf32, #tpu.memory_space<hbm>>
      %dma_wait3A_13 = arith.constant 0 : i32
      %dma_wait3A_14 = tpu.memref_slice %arg4[%mul3A_2, %dma_wait3A_13] : memref<1024x64xf32, #tpu.memory_space<hbm>> -> memref<32x64xf32, #tpu.memory_space<hbm>>
      tpu.wait_dma2 semaphore(%run_scoped3A : memref<!tpu.dma_semaphore, #tpu.memory_space<semaphore_mem>>) src(%arg6 : memref<32x64xf32, #tpu.memory_space<vmem>>) dst(%dma_wait3A_14 : memref<32x64xf32, #tpu.memory_space<hbm>>)
      tpu.yield
    }) : () -> ()
    return
  }
}

module attributes {stable_mosaic.version = 14 : i64} {
  func.func @body(%arg0: i32, %arg1: memref<512x1040xf32, #tpu.memory_space<vmem>>, %arg2: memref<512x1040xf32, #tpu.memory_space<vmem>>, %arg3: memref<1x512xf32, #tpu.memory_space<vmem>>, %arg4: memref<512x512xf32, #tpu.memory_space<vmem>>, %arg5: memref<1x512xf32, #tpu.memory_space<vmem>>, %arg6: memref<512x512xf32, #tpu.memory_space<vmem>>, %arg7: memref<1x512xf32, #tpu.memory_space<vmem>>, %arg8: memref<64x512xf32, #tpu.memory_space<vmem>>, %arg9: memref<1x64xf32, #tpu.memory_space<vmem>>, %arg10: memref<512x64xf32, #tpu.memory_space<vmem>>) attributes {dimension_semantics = [#tpu.dimension_semantics<arbitrary>], iteration_bounds = array<i64: 2>, scalar_prefetch = 0 : i64, scratch_operands = 0 : i64, tpu.core_type = #tpu.core_type<tc>, window_params = [{transform_indices = @transform_0, window_bounds = array<i64: 512, 1040>}, {pipeline_mode = #tpu.pipeline_mode<synchronous>, transform_indices = @transform_1, window_bounds = array<i64: 512, 1040>}, {pipeline_mode = #tpu.pipeline_mode<synchronous>, transform_indices = @transform_2, window_bounds = array<i64: 1, 512>}, {pipeline_mode = #tpu.pipeline_mode<synchronous>, transform_indices = @transform_3, window_bounds = array<i64: 512, 512>}, {pipeline_mode = #tpu.pipeline_mode<synchronous>, transform_indices = @transform_4, window_bounds = array<i64: 1, 512>}, {pipeline_mode = #tpu.pipeline_mode<synchronous>, transform_indices = @transform_5, window_bounds = array<i64: 512, 512>}, {pipeline_mode = #tpu.pipeline_mode<synchronous>, transform_indices = @transform_6, window_bounds = array<i64: 1, 512>}, {pipeline_mode = #tpu.pipeline_mode<synchronous>, transform_indices = @transform_7, window_bounds = array<i64: 64, 512>}, {pipeline_mode = #tpu.pipeline_mode<synchronous>, transform_indices = @transform_8, window_bounds = array<i64: 1, 64>}, {transform_indices = @transform_9, window_bounds = array<i64: 512, 64>}]} {
    %get3A = arith.constant 0 : index
    %get3A_0 = arith.constant 0 : index
    %get3A_1 = vector.load %arg1[%get3A, %get3A_0] : memref<512x1040xf32, #tpu.memory_space<vmem>>, vector<512x1040xf32>
    %get3A_2 = arith.constant 0 : index
    %get3A_3 = arith.constant 0 : index
    %get3A_4 = vector.load %arg2[%get3A_2, %get3A_3] : memref<512x1040xf32, #tpu.memory_space<vmem>>, vector<512x1040xf32>
    %convert_element_type3A = arith.truncf %get3A_1 : vector<512x1040xf32> to vector<512x1040xbf16>
    %convert_element_type3A_5 = arith.truncf %get3A_4 : vector<512x1040xf32> to vector<512x1040xbf16>
    %dot_general3A = arith.constant dense<0.000000e+00> : vector<512x512xf32>
    %dot_general3A_6 = tpu.matmul %convert_element_type3A, %convert_element_type3A_5, %dot_general3A {dimension_numbers = #tpu.dot_dimension_numbers<[1], [1], [0], [0], [0, 0, 1, 0], [], []>, transpose_lhs_hint = false} : vector<512x1040xbf16>, vector<512x1040xbf16>, vector<512x512xf32> -> vector<512x512xf32>
    %get3A_7 = arith.constant 0 : index
    %get3A_8 = arith.constant 0 : index
    %get3A_9 = vector.load %arg3[%get3A_7, %get3A_8] : memref<1x512xf32, #tpu.memory_space<vmem>>, vector<1x512xf32>
    %add3A = vector.broadcast %get3A_9 : vector<1x512xf32> to vector<512x512xf32>
    %add3A_10 = arith.addf %dot_general3A_6, %add3A : vector<512x512xf32>
    %max3A = arith.constant 0.000000e+00 : f32
    %max3A_11 = vector.broadcast %max3A : f32 to vector<512x512xf32>
    %max3A_12 = arith.maximumf %add3A_10, %max3A_11 : vector<512x512xf32>
    %get3A_13 = arith.constant 0 : index
    %get3A_14 = arith.constant 0 : index
    %get3A_15 = vector.load %arg4[%get3A_13, %get3A_14] : memref<512x512xf32, #tpu.memory_space<vmem>>, vector<512x512xf32>
    %convert_element_type3A_16 = arith.truncf %max3A_12 : vector<512x512xf32> to vector<512x512xbf16>
    %convert_element_type3A_17 = arith.truncf %get3A_15 : vector<512x512xf32> to vector<512x512xbf16>
    %dot_general3A_18 = arith.constant dense<0.000000e+00> : vector<512x512xf32>
    %dot_general3A_19 = tpu.matmul %convert_element_type3A_16, %convert_element_type3A_17, %dot_general3A_18 {dimension_numbers = #tpu.dot_dimension_numbers<[1], [1], [0], [0], [0, 0, 1, 0], [], []>, transpose_lhs_hint = false} : vector<512x512xbf16>, vector<512x512xbf16>, vector<512x512xf32> -> vector<512x512xf32>
    %get3A_20 = arith.constant 0 : index
    %get3A_21 = arith.constant 0 : index
    %get3A_22 = vector.load %arg5[%get3A_20, %get3A_21] : memref<1x512xf32, #tpu.memory_space<vmem>>, vector<1x512xf32>
    %add3A_23 = vector.broadcast %get3A_22 : vector<1x512xf32> to vector<512x512xf32>
    %add3A_24 = arith.addf %dot_general3A_19, %add3A_23 : vector<512x512xf32>
    %max3A_25 = arith.constant 0.000000e+00 : f32
    %max3A_26 = vector.broadcast %max3A_25 : f32 to vector<512x512xf32>
    %max3A_27 = arith.maximumf %add3A_24, %max3A_26 : vector<512x512xf32>
    %get3A_28 = arith.constant 0 : index
    %get3A_29 = arith.constant 0 : index
    %get3A_30 = vector.load %arg6[%get3A_28, %get3A_29] : memref<512x512xf32, #tpu.memory_space<vmem>>, vector<512x512xf32>
    %convert_element_type3A_31 = arith.truncf %max3A_27 : vector<512x512xf32> to vector<512x512xbf16>
    %convert_element_type3A_32 = arith.truncf %get3A_30 : vector<512x512xf32> to vector<512x512xbf16>
    %dot_general3A_33 = arith.constant dense<0.000000e+00> : vector<512x512xf32>
    %dot_general3A_34 = tpu.matmul %convert_element_type3A_31, %convert_element_type3A_32, %dot_general3A_33 {dimension_numbers = #tpu.dot_dimension_numbers<[1], [1], [0], [0], [0, 0, 1, 0], [], []>, transpose_lhs_hint = false} : vector<512x512xbf16>, vector<512x512xbf16>, vector<512x512xf32> -> vector<512x512xf32>
    %get3A_35 = arith.constant 0 : index
    %get3A_36 = arith.constant 0 : index
    %get3A_37 = vector.load %arg7[%get3A_35, %get3A_36] : memref<1x512xf32, #tpu.memory_space<vmem>>, vector<1x512xf32>
    %add3A_38 = vector.broadcast %get3A_37 : vector<1x512xf32> to vector<512x512xf32>
    %add3A_39 = arith.addf %dot_general3A_34, %add3A_38 : vector<512x512xf32>
    %max3A_40 = arith.constant 0.000000e+00 : f32
    %max3A_41 = vector.broadcast %max3A_40 : f32 to vector<512x512xf32>
    %max3A_42 = arith.maximumf %add3A_39, %max3A_41 : vector<512x512xf32>
    %get3A_43 = arith.constant 0 : index
    %get3A_44 = arith.constant 0 : index
    %get3A_45 = vector.load %arg8[%get3A_43, %get3A_44] : memref<64x512xf32, #tpu.memory_space<vmem>>, vector<64x512xf32>
    %convert_element_type3A_46 = arith.truncf %max3A_42 : vector<512x512xf32> to vector<512x512xbf16>
    %convert_element_type3A_47 = arith.truncf %get3A_45 : vector<64x512xf32> to vector<64x512xbf16>
    %dot_general3A_48 = arith.constant dense<0.000000e+00> : vector<512x64xf32>
    %dot_general3A_49 = tpu.matmul %convert_element_type3A_46, %convert_element_type3A_47, %dot_general3A_48 {dimension_numbers = #tpu.dot_dimension_numbers<[1], [1], [0], [0], [0, 0, 1, 0], [], []>, transpose_lhs_hint = false} : vector<512x512xbf16>, vector<64x512xbf16>, vector<512x64xf32> -> vector<512x64xf32>
    %get3A_50 = arith.constant 0 : index
    %get3A_51 = arith.constant 0 : index
    %get3A_52 = vector.load %arg9[%get3A_50, %get3A_51] : memref<1x64xf32, #tpu.memory_space<vmem>>, vector<1x64xf32>
    %add3A_53 = vector.broadcast %get3A_52 : vector<1x64xf32> to vector<512x64xf32>
    %add3A_54 = arith.addf %dot_general3A_49, %add3A_53 : vector<512x64xf32>
    %swap3A = arith.constant 0 : index
    %swap3A_55 = arith.constant 0 : index
    %swap3A_56 = vector.load %arg10[%swap3A, %swap3A_55] : memref<512x64xf32, #tpu.memory_space<vmem>>, vector<512x64xf32>
    tpu.vector_store %arg10[%swap3A, %swap3A_55], %add3A_54 {strides = array<i32>} : memref<512x64xf32, #tpu.memory_space<vmem>>, vector<512x64xf32>,
    return
  }
  func.func @transform_0(%arg0: i32) -> (i32, i32) {
    %c0_i32 = arith.constant 0 : i32
    %c0_i32_0 = arith.constant 0 : i32
    return %arg0, %c0_i32 : i32, i32
  }
  func.func @transform_1(%arg0: i32) -> (i32, i32) {
    %c0_i32 = arith.constant 0 : i32
    %c0_i32_0 = arith.constant 0 : i32
    %c0_i32_1 = arith.constant 0 : i32
    return %c0_i32, %c0_i32_0 : i32, i32
  }
  func.func @transform_2(%arg0: i32) -> (i32, i32) {
    %c0_i32 = arith.constant 0 : i32
    %c0_i32_0 = arith.constant 0 : i32
    %c0_i32_1 = arith.constant 0 : i32
    return %c0_i32, %c0_i32_0 : i32, i32
  }
  func.func @transform_3(%arg0: i32) -> (i32, i32) {
    %c0_i32 = arith.constant 0 : i32
    %c0_i32_0 = arith.constant 0 : i32
    %c0_i32_1 = arith.constant 0 : i32
    return %c0_i32, %c0_i32_0 : i32, i32
  }
  func.func @transform_4(%arg0: i32) -> (i32, i32) {
    %c0_i32 = arith.constant 0 : i32
    %c0_i32_0 = arith.constant 0 : i32
    %c0_i32_1 = arith.constant 0 : i32
    return %c0_i32, %c0_i32_0 : i32, i32
  }
  func.func @transform_5(%arg0: i32) -> (i32, i32) {
    %c0_i32 = arith.constant 0 : i32
    %c0_i32_0 = arith.constant 0 : i32
    %c0_i32_1 = arith.constant 0 : i32
    return %c0_i32, %c0_i32_0 : i32, i32
  }
  func.func @transform_6(%arg0: i32) -> (i32, i32) {
    %c0_i32 = arith.constant 0 : i32
    %c0_i32_0 = arith.constant 0 : i32
    %c0_i32_1 = arith.constant 0 : i32
    return %c0_i32, %c0_i32_0 : i32, i32
  }
  func.func @transform_7(%arg0: i32) -> (i32, i32) {
    %c0_i32 = arith.constant 0 : i32
    %c0_i32_0 = arith.constant 0 : i32
    %c0_i32_1 = arith.constant 0 : i32
    return %c0_i32, %c0_i32_0 : i32, i32
  }
  func.func @transform_8(%arg0: i32) -> (i32, i32) {
    %c0_i32 = arith.constant 0 : i32
    %c0_i32_0 = arith.constant 0 : i32
    %c0_i32_1 = arith.constant 0 : i32
    return %c0_i32, %c0_i32_0 : i32, i32
  }
  func.func @transform_9(%arg0: i32) -> (i32, i32) {
    %c0_i32 = arith.constant 0 : i32
    %c0_i32_0 = arith.constant 0 : i32
    return %arg0, %c0_i32 : i32, i32
  }
}

module attributes {stable_mosaic.version = 14 : i64} {
  func.func @body(%arg0: i32, %arg1: memref<1024x64xf32, #tpu.memory_space<vmem>>, %arg2: memref<1024x1xf32, #tpu.memory_space<vmem>>, %arg3: memref<2048x64xf32, #tpu.memory_space<vmem>>, %arg4: memref<1x2048xf32, #tpu.memory_space<vmem>>, %arg5: memref<1024x1xi32, #tpu.memory_space<vmem>>, %arg6: memref<1x1xf32, #tpu.memory_space<vmem>>, %arg7: memref<1024x1xf32, #tpu.memory_space<vmem>>, %arg8: memref<1024x1xi32, #tpu.memory_space<vmem>>) attributes {dimension_semantics = [#tpu.dimension_semantics<arbitrary>], iteration_bounds = array<i64: 30>, scalar_prefetch = 0 : i64, scratch_operands = 2 : i64, tpu.core_type = #tpu.core_type<tc>, window_params = [{pipeline_mode = #tpu.pipeline_mode<synchronous>, transform_indices = @transform_0, window_bounds = array<i64: 1024, 64>}, {pipeline_mode = #tpu.pipeline_mode<synchronous>, transform_indices = @transform_1, window_bounds = array<i64: 1024, 1>}, {transform_indices = @transform_2, window_bounds = array<i64: 2048, 64>}, {transform_indices = @transform_3, window_bounds = array<i64: 1, 2048>}, {pipeline_mode = #tpu.pipeline_mode<synchronous>, transform_indices = @transform_4, window_bounds = array<i64: 1024, 1>}, {pipeline_mode = #tpu.pipeline_mode<synchronous>, transform_indices = @transform_5, window_bounds = array<i64: 1, 1>}]} {
    %get3A = arith.constant 0 : index
    %get3A_0 = arith.constant 0 : index
    %get3A_1 = vector.load %arg1[%get3A, %get3A_0] : memref<1024x64xf32, #tpu.memory_space<vmem>>, vector<1024x64xf32>
    %get3A_2 = arith.constant 0 : index
    %get3A_3 = arith.constant 0 : index
    %get3A_4 = vector.load %arg3[%get3A_2, %get3A_3] : memref<2048x64xf32, #tpu.memory_space<vmem>>, vector<2048x64xf32>
    %convert_element_type3A = arith.truncf %get3A_1 : vector<1024x64xf32> to vector<1024x64xbf16>
    %convert_element_type3A_5 = arith.truncf %get3A_4 : vector<2048x64xf32> to vector<2048x64xbf16>
    %dot_general3A = arith.constant dense<0.000000e+00> : vector<1024x2048xf32>
    %dot_general3A_6 = tpu.matmul %convert_element_type3A, %convert_element_type3A_5, %dot_general3A {dimension_numbers = #tpu.dot_dimension_numbers<[1], [1], [0], [0], [0, 0, 1, 0], [], []>, transpose_lhs_hint = false} : vector<1024x64xbf16>, vector<2048x64xbf16>, vector<1024x2048xf32> -> vector<1024x2048xf32>
    %get3A_7 = arith.constant 0 : index
    %get3A_8 = arith.constant 0 : index
    %get3A_9 = vector.load %arg2[%get3A_7, %get3A_8] : memref<1024x1xf32, #tpu.memory_space<vmem>>, vector<1024x1xf32>
    %get3A_10 = arith.constant 0 : index
    %get3A_11 = arith.constant 0 : index
    %get3A_12 = vector.load %arg4[%get3A_10, %get3A_11] : memref<1x2048xf32, #tpu.memory_space<vmem>>, vector<1x2048xf32>
    %add3A = vector.broadcast %get3A_9 : vector<1024x1xf32> to vector<1024x2048xf32>
    %add3A_13 = vector.broadcast %get3A_12 : vector<1x2048xf32> to vector<1024x2048xf32>
    %add3A_14 = arith.addf %add3A, %add3A_13 : vector<1024x2048xf32>
    %mul3A = arith.constant 2.000000e+00 : f32
    %mul3A_15 = vector.broadcast %mul3A : f32 to vector<1024x2048xf32>
    %mul3A_16 = arith.mulf %mul3A_15, %dot_general3A_6 : vector<1024x2048xf32>
    %sub3A = arith.subf %add3A_14, %mul3A_16 : vector<1024x2048xf32>
    %iota3A = tpu.iota {dimensions = array<i32: 1>} : vector<1024x2048xi32>
    %mul3A_17 = arith.constant 2048 : i32
    %mul3A_18 = arith.muli %arg0, %mul3A_17 : i32
    %add3A_19 = vector.broadcast %mul3A_18 : i32 to vector<1024x2048xi32>
    %add3A_20 = arith.addi %iota3A, %add3A_19 : vector<1024x2048xi32>
    %reduce_min3A = arith.constant dense<0x7F800000> : vector<1024xf32>
    %reduce_min3A_21 = vector.multi_reduction <minimumf>, %sub3A, %reduce_min3A [1] : vector<1024x2048xf32> to vector<1024xf32>
    %broadcast_in_dim3A = vector.shape_cast %reduce_min3A_21 : vector<1024xf32> to vector<1024x1xf32>
    %eq3A = vector.broadcast %broadcast_in_dim3A : vector<1024x1xf32> to vector<1024x2048xf32>
    %eq3A_22 = arith.cmpf oeq, %sub3A, %eq3A : vector<1024x2048xf32>
    %jit3A = arith.constant 2147483647 : i32
    %broadcast_in_dim3A_23 = vector.broadcast %jit3A : i32 to vector<1024x2048xi32>
    %select_n3A = arith.select %eq3A_22, %add3A_20, %broadcast_in_dim3A_23 : vector<1024x2048xi1>, vector<1024x2048xi32>
    %reduce_min3A_24 = arith.constant dense<2147483647> : vector<1024xi32>
    %reduce_min3A_25 = vector.multi_reduction <minsi>, %select_n3A, %reduce_min3A_24 [1] : vector<1024x2048xi32> to vector<1024xi32>
    %broadcast_in_dim3A_26 = vector.shape_cast %reduce_min3A_25 : vector<1024xi32> to vector<1024x1xi32>
    %eq3A_27 = arith.constant 0 : i32
    %eq3A_28 = arith.cmpi eq, %arg0, %eq3A_27 : i32
    %convert_element_type3A_29 = arith.extui %eq3A_28 : i1 to i32
    %cond3A = arith.constant 0 : i32
    %cond3A_30 = arith.cmpi ne, %convert_element_type3A_29, %cond3A : i32
    scf.if %cond3A_30 {
      %swap3A = arith.constant 0 : index
      %swap3A_40 = arith.constant 0 : index
      %swap3A_41 = vector.load %arg7[%swap3A, %swap3A_40] : memref<1024x1xf32, #tpu.memory_space<vmem>>, vector<1024x1xf32>
      tpu.vector_store %arg7[%swap3A, %swap3A_40], %broadcast_in_dim3A {strides = array<i32>} : memref<1024x1xf32, #tpu.memory_space<vmem>>, vector<1024x1xf32>,
      %swap3A_42 = arith.constant 0 : index
      %swap3A_43 = arith.constant 0 : index
      %swap3A_44 = vector.load %arg8[%swap3A_42, %swap3A_43] : memref<1024x1xi32, #tpu.memory_space<vmem>>, vector<1024x1xi32>
      tpu.vector_store %arg8[%swap3A_42, %swap3A_43], %broadcast_in_dim3A_26 {strides = array<i32>} : memref<1024x1xi32, #tpu.memory_space<vmem>>, vector<1024x1xi32>,
    } else {
    }
    %gt3A = arith.constant 0 : i32
    %gt3A_31 = arith.cmpi sgt, %arg0, %gt3A : i32
    %convert_element_type3A_32 = arith.extui %gt3A_31 : i1 to i32
    %cond3A_33 = arith.constant 0 : i32
    %cond3A_34 = arith.cmpi ne, %convert_element_type3A_32, %cond3A_33 : i32
    scf.if %cond3A_34 {
      %get3A_40 = arith.constant 0 : index
      %get3A_41 = arith.constant 0 : index
      %get3A_42 = vector.load %arg7[%get3A_40, %get3A_41] : memref<1024x1xf32, #tpu.memory_space<vmem>>, vector<1024x1xf32>
      %lt3A = arith.cmpf olt, %broadcast_in_dim3A, %get3A_42 : vector<1024x1xf32>
      %get3A_43 = arith.constant 0 : index
      %get3A_44 = arith.constant 0 : index
      %get3A_45 = vector.load %arg7[%get3A_43, %get3A_44] : memref<1024x1xf32, #tpu.memory_space<vmem>>, vector<1024x1xf32>
      %select_n3A_46 = arith.select %lt3A, %broadcast_in_dim3A, %get3A_45 : vector<1024x1xi1>, vector<1024x1xf32>
      %swap3A = arith.constant 0 : index
      %swap3A_47 = arith.constant 0 : index
      %swap3A_48 = vector.load %arg7[%swap3A, %swap3A_47] : memref<1024x1xf32, #tpu.memory_space<vmem>>, vector<1024x1xf32>
      tpu.vector_store %arg7[%swap3A, %swap3A_47], %select_n3A_46 {strides = array<i32>} : memref<1024x1xf32, #tpu.memory_space<vmem>>, vector<1024x1xf32>,
      %get3A_49 = arith.constant 0 : index
      %get3A_50 = arith.constant 0 : index
      %get3A_51 = vector.load %arg8[%get3A_49, %get3A_50] : memref<1024x1xi32, #tpu.memory_space<vmem>>, vector<1024x1xi32>
      %select_n3A_52 = arith.select %lt3A, %broadcast_in_dim3A_26, %get3A_51 : vector<1024x1xi1>, vector<1024x1xi32>
      %swap3A_53 = arith.constant 0 : index
      %swap3A_54 = arith.constant 0 : index
      %swap3A_55 = vector.load %arg8[%swap3A_53, %swap3A_54] : memref<1024x1xi32, #tpu.memory_space<vmem>>, vector<1024x1xi32>
      tpu.vector_store %arg8[%swap3A_53, %swap3A_54], %select_n3A_52 {strides = array<i32>} : memref<1024x1xi32, #tpu.memory_space<vmem>>, vector<1024x1xi32>,
    } else {
    }
    %eq3A_35 = arith.constant 29 : i32
    %eq3A_36 = arith.cmpi eq, %arg0, %eq3A_35 : i32
    %convert_element_type3A_37 = arith.extui %eq3A_36 : i1 to i32
    %cond3A_38 = arith.constant 0 : i32
    %cond3A_39 = arith.cmpi ne, %convert_element_type3A_37, %cond3A_38 : i32
    scf.if %cond3A_39 {
      %get3A_40 = arith.constant 0 : index
      %get3A_41 = arith.constant 0 : index
      %get3A_42 = vector.load %arg8[%get3A_40, %get3A_41] : memref<1024x1xi32, #tpu.memory_space<vmem>>, vector<1024x1xi32>
      %swap3A = arith.constant 0 : index
      %swap3A_43 = arith.constant 0 : index
      %swap3A_44 = vector.load %arg5[%swap3A, %swap3A_43] : memref<1024x1xi32, #tpu.memory_space<vmem>>, vector<1024x1xi32>
      tpu.vector_store %arg5[%swap3A, %swap3A_43], %get3A_42 {strides = array<i32>} : memref<1024x1xi32, #tpu.memory_space<vmem>>, vector<1024x1xi32>,
      %get3A_45 = arith.constant 0 : index
      %get3A_46 = arith.constant 0 : index
      %get3A_47 = vector.load %arg7[%get3A_45, %get3A_46] : memref<1024x1xf32, #tpu.memory_space<vmem>>, vector<1024x1xf32>
      %reduce_sum3A = vector.shape_cast %get3A_47 : vector<1024x1xf32> to vector<1x1024x1xf32>
      %reduce_sum3A_48 = arith.constant dense<0.000000e+00> : vector<1xf32>
      %reduce_sum3A_49 = vector.multi_reduction <add>, %reduce_sum3A, %reduce_sum3A_48 [1, 2] : vector<1x1024x1xf32> to vector<1xf32>
      %reduce_sum3A_50 = vector.shape_cast %reduce_sum3A_49 : vector<1xf32> to vector<1x1x1xf32>
      %reduce_sum3A_51 = vector.extract %reduce_sum3A_50[0, 0, 0] : f32 from vector<1x1x1xf32>
      %broadcast_in_dim3A_52 = vector.broadcast %reduce_sum3A_51 : f32 to vector<1x1xf32>
      %swap3A_53 = arith.constant 0 : index
      %swap3A_54 = arith.constant 0 : index
      %swap3A_55 = vector.load %arg6[%swap3A_53, %swap3A_54] : memref<1x1xf32, #tpu.memory_space<vmem>>, vector<1x1xf32>
      tpu.vector_store %arg6[%swap3A_53, %swap3A_54], %broadcast_in_dim3A_52 {strides = array<i32>} : memref<1x1xf32, #tpu.memory_space<vmem>>, vector<1x1xf32>,
    } else {
    }
    return
  }
  func.func @transform_0(%arg0: i32) -> (i32, i32) {
    %c0_i32 = arith.constant 0 : i32
    %c0_i32_0 = arith.constant 0 : i32
    %c0_i32_1 = arith.constant 0 : i32
    return %c0_i32, %c0_i32_0 : i32, i32
  }
  func.func @transform_1(%arg0: i32) -> (i32, i32) {
    %c0_i32 = arith.constant 0 : i32
    %c0_i32_0 = arith.constant 0 : i32
    %c0_i32_1 = arith.constant 0 : i32
    return %c0_i32, %c0_i32_0 : i32, i32
  }
  func.func @transform_2(%arg0: i32) -> (i32, i32) {
    %c0_i32 = arith.constant 0 : i32
    %c0_i32_0 = arith.constant 0 : i32
    return %arg0, %c0_i32 : i32, i32
  }
  func.func @transform_3(%arg0: i32) -> (i32, i32) {
    %c0_i32 = arith.constant 0 : i32
    %c0_i32_0 = arith.constant 0 : i32
    return %c0_i32, %arg0 : i32, i32
  }
  func.func @transform_4(%arg0: i32) -> (i32, i32) {
    %c0_i32 = arith.constant 0 : i32
    %c0_i32_0 = arith.constant 0 : i32
    %c0_i32_1 = arith.constant 0 : i32
    return %c0_i32, %c0_i32_0 : i32, i32
  }
  func.func @transform_5(%arg0: i32) -> (i32, i32) {
    %c0_i32 = arith.constant 0 : i32
    %c0_i32_0 = arith.constant 0 : i32
    %c0_i32_1 = arith.constant 0 : i32
    return %c0_i32, %c0_i32_0 : i32, i32
  }
}

module attributes {stable_mosaic.version = 14 : i64} {
  func.func @body(%arg0: i32, %arg1: memref<1024x128xf32, #tpu.memory_space<vmem>>, %arg2: memref<512x128xf32, #tpu.memory_space<vmem>>, %arg3: memref<1x512xf32, #tpu.memory_space<vmem>>, %arg4: memref<512x512xf32, #tpu.memory_space<vmem>>, %arg5: memref<1x512xf32, #tpu.memory_space<vmem>>, %arg6: memref<512x512xf32, #tpu.memory_space<vmem>>, %arg7: memref<1x512xf32, #tpu.memory_space<vmem>>, %arg8: memref<16x512xf32, #tpu.memory_space<vmem>>, %arg9: memref<1x16xf32, #tpu.memory_space<vmem>>, %arg10: memref<1024x16xf32, #tpu.memory_space<vmem>>) attributes {dimension_semantics = [#tpu.dimension_semantics<arbitrary>], iteration_bounds = array<i64: 15>, scalar_prefetch = 0 : i64, scratch_operands = 0 : i64, tpu.core_type = #tpu.core_type<tc>, window_params = [{transform_indices = @transform_0, window_bounds = array<i64: 1024, 128>}, {pipeline_mode = #tpu.pipeline_mode<synchronous>, transform_indices = @transform_1, window_bounds = array<i64: 512, 128>}, {pipeline_mode = #tpu.pipeline_mode<synchronous>, transform_indices = @transform_2, window_bounds = array<i64: 1, 512>}, {pipeline_mode = #tpu.pipeline_mode<synchronous>, transform_indices = @transform_3, window_bounds = array<i64: 512, 512>}, {pipeline_mode = #tpu.pipeline_mode<synchronous>, transform_indices = @transform_4, window_bounds = array<i64: 1, 512>}, {pipeline_mode = #tpu.pipeline_mode<synchronous>, transform_indices = @transform_5, window_bounds = array<i64: 512, 512>}, {pipeline_mode = #tpu.pipeline_mode<synchronous>, transform_indices = @transform_6, window_bounds = array<i64: 1, 512>}, {pipeline_mode = #tpu.pipeline_mode<synchronous>, transform_indices = @transform_7, window_bounds = array<i64: 16, 512>}, {pipeline_mode = #tpu.pipeline_mode<synchronous>, transform_indices = @transform_8, window_bounds = array<i64: 1, 16>}, {transform_indices = @transform_9, window_bounds = array<i64: 1024, 16>}]} {
    %get3A = arith.constant 0 : index
    %get3A_0 = arith.constant 0 : index
    %get3A_1 = vector.load %arg1[%get3A, %get3A_0] : memref<1024x128xf32, #tpu.memory_space<vmem>>, vector<1024x128xf32>
    %get3A_2 = arith.constant 0 : index
    %get3A_3 = arith.constant 0 : index
    %get3A_4 = vector.load %arg2[%get3A_2, %get3A_3] : memref<512x128xf32, #tpu.memory_space<vmem>>, vector<512x128xf32>
    %convert_element_type3A = arith.truncf %get3A_1 : vector<1024x128xf32> to vector<1024x128xbf16>
    %convert_element_type3A_5 = arith.truncf %get3A_4 : vector<512x128xf32> to vector<512x128xbf16>
    %dot_general3A = arith.constant dense<0.000000e+00> : vector<1024x512xf32>
    %dot_general3A_6 = tpu.matmul %convert_element_type3A, %convert_element_type3A_5, %dot_general3A {dimension_numbers = #tpu.dot_dimension_numbers<[1], [1], [0], [0], [0, 0, 1, 0], [], []>, transpose_lhs_hint = false} : vector<1024x128xbf16>, vector<512x128xbf16>, vector<1024x512xf32> -> vector<1024x512xf32>
    %get3A_7 = arith.constant 0 : index
    %get3A_8 = arith.constant 0 : index
    %get3A_9 = vector.load %arg3[%get3A_7, %get3A_8] : memref<1x512xf32, #tpu.memory_space<vmem>>, vector<1x512xf32>
    %add3A = vector.broadcast %get3A_9 : vector<1x512xf32> to vector<1024x512xf32>
    %add3A_10 = arith.addf %dot_general3A_6, %add3A : vector<1024x512xf32>
    %max3A = arith.constant 0.000000e+00 : f32
    %max3A_11 = vector.broadcast %max3A : f32 to vector<1024x512xf32>
    %max3A_12 = arith.maximumf %add3A_10, %max3A_11 : vector<1024x512xf32>
    %get3A_13 = arith.constant 0 : index
    %get3A_14 = arith.constant 0 : index
    %get3A_15 = vector.load %arg4[%get3A_13, %get3A_14] : memref<512x512xf32, #tpu.memory_space<vmem>>, vector<512x512xf32>
    %convert_element_type3A_16 = arith.truncf %max3A_12 : vector<1024x512xf32> to vector<1024x512xbf16>
    %convert_element_type3A_17 = arith.truncf %get3A_15 : vector<512x512xf32> to vector<512x512xbf16>
    %dot_general3A_18 = arith.constant dense<0.000000e+00> : vector<1024x512xf32>
    %dot_general3A_19 = tpu.matmul %convert_element_type3A_16, %convert_element_type3A_17, %dot_general3A_18 {dimension_numbers = #tpu.dot_dimension_numbers<[1], [1], [0], [0], [0, 0, 1, 0], [], []>, transpose_lhs_hint = false} : vector<1024x512xbf16>, vector<512x512xbf16>, vector<1024x512xf32> -> vector<1024x512xf32>
    %get3A_20 = arith.constant 0 : index
    %get3A_21 = arith.constant 0 : index
    %get3A_22 = vector.load %arg5[%get3A_20, %get3A_21] : memref<1x512xf32, #tpu.memory_space<vmem>>, vector<1x512xf32>
    %add3A_23 = vector.broadcast %get3A_22 : vector<1x512xf32> to vector<1024x512xf32>
    %add3A_24 = arith.addf %dot_general3A_19, %add3A_23 : vector<1024x512xf32>
    %max3A_25 = arith.constant 0.000000e+00 : f32
    %max3A_26 = vector.broadcast %max3A_25 : f32 to vector<1024x512xf32>
    %max3A_27 = arith.maximumf %add3A_24, %max3A_26 : vector<1024x512xf32>
    %get3A_28 = arith.constant 0 : index
    %get3A_29 = arith.constant 0 : index
    %get3A_30 = vector.load %arg6[%get3A_28, %get3A_29] : memref<512x512xf32, #tpu.memory_space<vmem>>, vector<512x512xf32>
    %convert_element_type3A_31 = arith.truncf %max3A_27 : vector<1024x512xf32> to vector<1024x512xbf16>
    %convert_element_type3A_32 = arith.truncf %get3A_30 : vector<512x512xf32> to vector<512x512xbf16>
    %dot_general3A_33 = arith.constant dense<0.000000e+00> : vector<1024x512xf32>
    %dot_general3A_34 = tpu.matmul %convert_element_type3A_31, %convert_element_type3A_32, %dot_general3A_33 {dimension_numbers = #tpu.dot_dimension_numbers<[1], [1], [0], [0], [0, 0, 1, 0], [], []>, transpose_lhs_hint = false} : vector<1024x512xbf16>, vector<512x512xbf16>, vector<1024x512xf32> -> vector<1024x512xf32>
    %get3A_35 = arith.constant 0 : index
    %get3A_36 = arith.constant 0 : index
    %get3A_37 = vector.load %arg7[%get3A_35, %get3A_36] : memref<1x512xf32, #tpu.memory_space<vmem>>, vector<1x512xf32>
    %add3A_38 = vector.broadcast %get3A_37 : vector<1x512xf32> to vector<1024x512xf32>
    %add3A_39 = arith.addf %dot_general3A_34, %add3A_38 : vector<1024x512xf32>
    %max3A_40 = arith.constant 0.000000e+00 : f32
    %max3A_41 = vector.broadcast %max3A_40 : f32 to vector<1024x512xf32>
    %max3A_42 = arith.maximumf %add3A_39, %max3A_41 : vector<1024x512xf32>
    %get3A_43 = arith.constant 0 : index
    %get3A_44 = arith.constant 0 : index
    %get3A_45 = vector.load %arg8[%get3A_43, %get3A_44] : memref<16x512xf32, #tpu.memory_space<vmem>>, vector<16x512xf32>
    %convert_element_type3A_46 = arith.truncf %max3A_42 : vector<1024x512xf32> to vector<1024x512xbf16>
    %convert_element_type3A_47 = arith.truncf %get3A_45 : vector<16x512xf32> to vector<16x512xbf16>
    %dot_general3A_48 = arith.constant dense<0.000000e+00> : vector<1024x16xf32>
    %dot_general3A_49 = tpu.matmul %convert_element_type3A_46, %convert_element_type3A_47, %dot_general3A_48 {dimension_numbers = #tpu.dot_dimension_numbers<[1], [1], [0], [0], [0, 0, 1, 0], [], []>, transpose_lhs_hint = false} : vector<1024x512xbf16>, vector<16x512xbf16>, vector<1024x16xf32> -> vector<1024x16xf32>
    %get3A_50 = arith.constant 0 : index
    %get3A_51 = arith.constant 0 : index
    %get3A_52 = vector.load %arg9[%get3A_50, %get3A_51] : memref<1x16xf32, #tpu.memory_space<vmem>>, vector<1x16xf32>
    %add3A_53 = vector.broadcast %get3A_52 : vector<1x16xf32> to vector<1024x16xf32>
    %add3A_54 = arith.addf %dot_general3A_49, %add3A_53 : vector<1024x16xf32>
    %swap3A = arith.constant 0 : index
    %swap3A_55 = arith.constant 0 : index
    %swap3A_56 = vector.load %arg10[%swap3A, %swap3A_55] : memref<1024x16xf32, #tpu.memory_space<vmem>>, vector<1024x16xf32>
    tpu.vector_store %arg10[%swap3A, %swap3A_55], %add3A_54 {strides = array<i32>} : memref<1024x16xf32, #tpu.memory_space<vmem>>, vector<1024x16xf32>,
    return
  }
  func.func @transform_0(%arg0: i32) -> (i32, i32) {
    %c0_i32 = arith.constant 0 : i32
    %c0_i32_0 = arith.constant 0 : i32
    return %arg0, %c0_i32 : i32, i32
  }
  func.func @transform_1(%arg0: i32) -> (i32, i32) {
    %c0_i32 = arith.constant 0 : i32
    %c0_i32_0 = arith.constant 0 : i32
    %c0_i32_1 = arith.constant 0 : i32
    return %c0_i32, %c0_i32_0 : i32, i32
  }
  func.func @transform_2(%arg0: i32) -> (i32, i32) {
    %c0_i32 = arith.constant 0 : i32
    %c0_i32_0 = arith.constant 0 : i32
    %c0_i32_1 = arith.constant 0 : i32
    return %c0_i32, %c0_i32_0 : i32, i32
  }
  func.func @transform_3(%arg0: i32) -> (i32, i32) {
    %c0_i32 = arith.constant 0 : i32
    %c0_i32_0 = arith.constant 0 : i32
    %c0_i32_1 = arith.constant 0 : i32
    return %c0_i32, %c0_i32_0 : i32, i32
  }
  func.func @transform_4(%arg0: i32) -> (i32, i32) {
    %c0_i32 = arith.constant 0 : i32
    %c0_i32_0 = arith.constant 0 : i32
    %c0_i32_1 = arith.constant 0 : i32
    return %c0_i32, %c0_i32_0 : i32, i32
  }
  func.func @transform_5(%arg0: i32) -> (i32, i32) {
    %c0_i32 = arith.constant 0 : i32
    %c0_i32_0 = arith.constant 0 : i32
    %c0_i32_1 = arith.constant 0 : i32
    return %c0_i32, %c0_i32_0 : i32, i32
  }
  func.func @transform_6(%arg0: i32) -> (i32, i32) {
    %c0_i32 = arith.constant 0 : i32
    %c0_i32_0 = arith.constant 0 : i32
    %c0_i32_1 = arith.constant 0 : i32
    return %c0_i32, %c0_i32_0 : i32, i32
  }
  func.func @transform_7(%arg0: i32) -> (i32, i32) {
    %c0_i32 = arith.constant 0 : i32
    %c0_i32_0 = arith.constant 0 : i32
    %c0_i32_1 = arith.constant 0 : i32
    return %c0_i32, %c0_i32_0 : i32, i32
  }
  func.func @transform_8(%arg0: i32) -> (i32, i32) {
    %c0_i32 = arith.constant 0 : i32
    %c0_i32_0 = arith.constant 0 : i32
    %c0_i32_1 = arith.constant 0 : i32
    return %c0_i32, %c0_i32_0 : i32, i32
  }
  func.func @transform_9(%arg0: i32) -> (i32, i32) {
    %c0_i32 = arith.constant 0 : i32
    %c0_i32_0 = arith.constant 0 : i32
    return %arg0, %c0_i32 : i32, i32
  }
}

module attributes {stable_mosaic.version = 14 : i64} {
  func.func @body(%arg0: i32, %arg1: memref<1024x81xf32, #tpu.memory_space<vmem>>, %arg2: memref<512x81xf32, #tpu.memory_space<vmem>>, %arg3: memref<1x512xf32, #tpu.memory_space<vmem>>, %arg4: memref<512x512xf32, #tpu.memory_space<vmem>>, %arg5: memref<1x512xf32, #tpu.memory_space<vmem>>, %arg6: memref<512x512xf32, #tpu.memory_space<vmem>>, %arg7: memref<1x512xf32, #tpu.memory_space<vmem>>, %arg8: memref<65x512xf32, #tpu.memory_space<vmem>>, %arg9: memref<1x65xf32, #tpu.memory_space<vmem>>, %arg10: memref<1024x65xf32, #tpu.memory_space<vmem>>) attributes {dimension_semantics = [#tpu.dimension_semantics<arbitrary>], iteration_bounds = array<i64: 16>, scalar_prefetch = 0 : i64, scratch_operands = 0 : i64, tpu.core_type = #tpu.core_type<tc>, window_params = [{transform_indices = @transform_0, window_bounds = array<i64: 1024, 81>}, {pipeline_mode = #tpu.pipeline_mode<synchronous>, transform_indices = @transform_1, window_bounds = array<i64: 512, 81>}, {pipeline_mode = #tpu.pipeline_mode<synchronous>, transform_indices = @transform_2, window_bounds = array<i64: 1, 512>}, {pipeline_mode = #tpu.pipeline_mode<synchronous>, transform_indices = @transform_3, window_bounds = array<i64: 512, 512>}, {pipeline_mode = #tpu.pipeline_mode<synchronous>, transform_indices = @transform_4, window_bounds = array<i64: 1, 512>}, {pipeline_mode = #tpu.pipeline_mode<synchronous>, transform_indices = @transform_5, window_bounds = array<i64: 512, 512>}, {pipeline_mode = #tpu.pipeline_mode<synchronous>, transform_indices = @transform_6, window_bounds = array<i64: 1, 512>}, {pipeline_mode = #tpu.pipeline_mode<synchronous>, transform_indices = @transform_7, window_bounds = array<i64: 65, 512>}, {pipeline_mode = #tpu.pipeline_mode<synchronous>, transform_indices = @transform_8, window_bounds = array<i64: 1, 65>}, {transform_indices = @transform_9, window_bounds = array<i64: 1024, 65>}]} {
    %get3A = arith.constant 0 : index
    %get3A_0 = arith.constant 0 : index
    %get3A_1 = vector.load %arg1[%get3A, %get3A_0] : memref<1024x81xf32, #tpu.memory_space<vmem>>, vector<1024x81xf32>
    %get3A_2 = arith.constant 0 : index
    %get3A_3 = arith.constant 0 : index
    %get3A_4 = vector.load %arg2[%get3A_2, %get3A_3] : memref<512x81xf32, #tpu.memory_space<vmem>>, vector<512x81xf32>
    %convert_element_type3A = arith.truncf %get3A_1 : vector<1024x81xf32> to vector<1024x81xbf16>
    %convert_element_type3A_5 = arith.truncf %get3A_4 : vector<512x81xf32> to vector<512x81xbf16>
    %dot_general3A = arith.constant dense<0.000000e+00> : vector<1024x512xf32>
    %dot_general3A_6 = tpu.matmul %convert_element_type3A, %convert_element_type3A_5, %dot_general3A {dimension_numbers = #tpu.dot_dimension_numbers<[1], [1], [0], [0], [0, 0, 1, 0], [], []>, transpose_lhs_hint = false} : vector<1024x81xbf16>, vector<512x81xbf16>, vector<1024x512xf32> -> vector<1024x512xf32>
    %get3A_7 = arith.constant 0 : index
    %get3A_8 = arith.constant 0 : index
    %get3A_9 = vector.load %arg3[%get3A_7, %get3A_8] : memref<1x512xf32, #tpu.memory_space<vmem>>, vector<1x512xf32>
    %add3A = vector.broadcast %get3A_9 : vector<1x512xf32> to vector<1024x512xf32>
    %add3A_10 = arith.addf %dot_general3A_6, %add3A : vector<1024x512xf32>
    %max3A = arith.constant 0.000000e+00 : f32
    %max3A_11 = vector.broadcast %max3A : f32 to vector<1024x512xf32>
    %max3A_12 = arith.maximumf %add3A_10, %max3A_11 : vector<1024x512xf32>
    %get3A_13 = arith.constant 0 : index
    %get3A_14 = arith.constant 0 : index
    %get3A_15 = vector.load %arg4[%get3A_13, %get3A_14] : memref<512x512xf32, #tpu.memory_space<vmem>>, vector<512x512xf32>
    %convert_element_type3A_16 = arith.truncf %max3A_12 : vector<1024x512xf32> to vector<1024x512xbf16>
    %convert_element_type3A_17 = arith.truncf %get3A_15 : vector<512x512xf32> to vector<512x512xbf16>
    %dot_general3A_18 = arith.constant dense<0.000000e+00> : vector<1024x512xf32>
    %dot_general3A_19 = tpu.matmul %convert_element_type3A_16, %convert_element_type3A_17, %dot_general3A_18 {dimension_numbers = #tpu.dot_dimension_numbers<[1], [1], [0], [0], [0, 0, 1, 0], [], []>, transpose_lhs_hint = false} : vector<1024x512xbf16>, vector<512x512xbf16>, vector<1024x512xf32> -> vector<1024x512xf32>
    %get3A_20 = arith.constant 0 : index
    %get3A_21 = arith.constant 0 : index
    %get3A_22 = vector.load %arg5[%get3A_20, %get3A_21] : memref<1x512xf32, #tpu.memory_space<vmem>>, vector<1x512xf32>
    %add3A_23 = vector.broadcast %get3A_22 : vector<1x512xf32> to vector<1024x512xf32>
    %add3A_24 = arith.addf %dot_general3A_19, %add3A_23 : vector<1024x512xf32>
    %max3A_25 = arith.constant 0.000000e+00 : f32
    %max3A_26 = vector.broadcast %max3A_25 : f32 to vector<1024x512xf32>
    %max3A_27 = arith.maximumf %add3A_24, %max3A_26 : vector<1024x512xf32>
    %get3A_28 = arith.constant 0 : index
    %get3A_29 = arith.constant 0 : index
    %get3A_30 = vector.load %arg6[%get3A_28, %get3A_29] : memref<512x512xf32, #tpu.memory_space<vmem>>, vector<512x512xf32>
    %convert_element_type3A_31 = arith.truncf %max3A_27 : vector<1024x512xf32> to vector<1024x512xbf16>
    %convert_element_type3A_32 = arith.truncf %get3A_30 : vector<512x512xf32> to vector<512x512xbf16>
    %dot_general3A_33 = arith.constant dense<0.000000e+00> : vector<1024x512xf32>
    %dot_general3A_34 = tpu.matmul %convert_element_type3A_31, %convert_element_type3A_32, %dot_general3A_33 {dimension_numbers = #tpu.dot_dimension_numbers<[1], [1], [0], [0], [0, 0, 1, 0], [], []>, transpose_lhs_hint = false} : vector<1024x512xbf16>, vector<512x512xbf16>, vector<1024x512xf32> -> vector<1024x512xf32>
    %get3A_35 = arith.constant 0 : index
    %get3A_36 = arith.constant 0 : index
    %get3A_37 = vector.load %arg7[%get3A_35, %get3A_36] : memref<1x512xf32, #tpu.memory_space<vmem>>, vector<1x512xf32>
    %add3A_38 = vector.broadcast %get3A_37 : vector<1x512xf32> to vector<1024x512xf32>
    %add3A_39 = arith.addf %dot_general3A_34, %add3A_38 : vector<1024x512xf32>
    %max3A_40 = arith.constant 0.000000e+00 : f32
    %max3A_41 = vector.broadcast %max3A_40 : f32 to vector<1024x512xf32>
    %max3A_42 = arith.maximumf %add3A_39, %max3A_41 : vector<1024x512xf32>
    %get3A_43 = arith.constant 0 : index
    %get3A_44 = arith.constant 0 : index
    %get3A_45 = vector.load %arg8[%get3A_43, %get3A_44] : memref<65x512xf32, #tpu.memory_space<vmem>>, vector<65x512xf32>
    %convert_element_type3A_46 = arith.truncf %max3A_42 : vector<1024x512xf32> to vector<1024x512xbf16>
    %convert_element_type3A_47 = arith.truncf %get3A_45 : vector<65x512xf32> to vector<65x512xbf16>
    %dot_general3A_48 = arith.constant dense<0.000000e+00> : vector<1024x65xf32>
    %dot_general3A_49 = tpu.matmul %convert_element_type3A_46, %convert_element_type3A_47, %dot_general3A_48 {dimension_numbers = #tpu.dot_dimension_numbers<[1], [1], [0], [0], [0, 0, 1, 0], [], []>, transpose_lhs_hint = false} : vector<1024x512xbf16>, vector<65x512xbf16>, vector<1024x65xf32> -> vector<1024x65xf32>
    %get3A_50 = arith.constant 0 : index
    %get3A_51 = arith.constant 0 : index
    %get3A_52 = vector.load %arg9[%get3A_50, %get3A_51] : memref<1x65xf32, #tpu.memory_space<vmem>>, vector<1x65xf32>
    %add3A_53 = vector.broadcast %get3A_52 : vector<1x65xf32> to vector<1024x65xf32>
    %add3A_54 = arith.addf %dot_general3A_49, %add3A_53 : vector<1024x65xf32>
    %swap3A = arith.constant 0 : index
    %swap3A_55 = arith.constant 0 : index
    %swap3A_56 = vector.load %arg10[%swap3A, %swap3A_55] : memref<1024x65xf32, #tpu.memory_space<vmem>>, vector<1024x65xf32>
    tpu.vector_store %arg10[%swap3A, %swap3A_55], %add3A_54 {strides = array<i32>} : memref<1024x65xf32, #tpu.memory_space<vmem>>, vector<1024x65xf32>,
    return
  }
  func.func @transform_0(%arg0: i32) -> (i32, i32) {
    %c0_i32 = arith.constant 0 : i32
    %c0_i32_0 = arith.constant 0 : i32
    return %arg0, %c0_i32 : i32, i32
  }
  func.func @transform_1(%arg0: i32) -> (i32, i32) {
    %c0_i32 = arith.constant 0 : i32
    %c0_i32_0 = arith.constant 0 : i32
    %c0_i32_1 = arith.constant 0 : i32
    return %c0_i32, %c0_i32_0 : i32, i32
  }
  func.func @transform_2(%arg0: i32) -> (i32, i32) {
    %c0_i32 = arith.constant 0 : i32
    %c0_i32_0 = arith.constant 0 : i32
    %c0_i32_1 = arith.constant 0 : i32
    return %c0_i32, %c0_i32_0 : i32, i32
  }
  func.func @transform_3(%arg0: i32) -> (i32, i32) {
    %c0_i32 = arith.constant 0 : i32
    %c0_i32_0 = arith.constant 0 : i32
    %c0_i32_1 = arith.constant 0 : i32
    return %c0_i32, %c0_i32_0 : i32, i32
  }
  func.func @transform_4(%arg0: i32) -> (i32, i32) {
    %c0_i32 = arith.constant 0 : i32
    %c0_i32_0 = arith.constant 0 : i32
    %c0_i32_1 = arith.constant 0 : i32
    return %c0_i32, %c0_i32_0 : i32, i32
  }
  func.func @transform_5(%arg0: i32) -> (i32, i32) {
    %c0_i32 = arith.constant 0 : i32
    %c0_i32_0 = arith.constant 0 : i32
    %c0_i32_1 = arith.constant 0 : i32
    return %c0_i32, %c0_i32_0 : i32, i32
  }
  func.func @transform_6(%arg0: i32) -> (i32, i32) {
    %c0_i32 = arith.constant 0 : i32
    %c0_i32_0 = arith.constant 0 : i32
    %c0_i32_1 = arith.constant 0 : i32
    return %c0_i32, %c0_i32_0 : i32, i32
  }
  func.func @transform_7(%arg0: i32) -> (i32, i32) {
    %c0_i32 = arith.constant 0 : i32
    %c0_i32_0 = arith.constant 0 : i32
    %c0_i32_1 = arith.constant 0 : i32
    return %c0_i32, %c0_i32_0 : i32, i32
  }
  func.func @transform_8(%arg0: i32) -> (i32, i32) {
    %c0_i32 = arith.constant 0 : i32
    %c0_i32_0 = arith.constant 0 : i32
    %c0_i32_1 = arith.constant 0 : i32
    return %c0_i32, %c0_i32_0 : i32, i32
  }
  func.func @transform_9(%arg0: i32) -> (i32, i32) {
    %c0_i32 = arith.constant 0 : i32
    %c0_i32_0 = arith.constant 0 : i32
    return %arg0, %c0_i32 : i32, i32
  }
}

module attributes {stable_mosaic.version = 14 : i64} {
  func.func @body(%arg0: i32, %arg1: memref<64x64xf32, #tpu.memory_space<vmem>>, %arg2: memref<64x65xf32, #tpu.memory_space<vmem>>, %arg3: memref<1024x1xi32, #tpu.memory_space<vmem>>, %arg4: memref<17x5xf32, #tpu.memory_space<vmem>>, %arg5: memref<512x64xf32, #tpu.memory_space<vmem>>, %arg6: memref<512x5xf32, #tpu.memory_space<vmem>>, %arg7: memref<512x65xf32, #tpu.memory_space<vmem>>, %arg8: memref<1x512xf32, #tpu.memory_space<vmem>>, %arg9: memref<512x512xf32, #tpu.memory_space<vmem>>, %arg10: memref<1x512xf32, #tpu.memory_space<vmem>>, %arg11: memref<512x512xf32, #tpu.memory_space<vmem>>, %arg12: memref<1x512xf32, #tpu.memory_space<vmem>>, %arg13: memref<65x512xf32, #tpu.memory_space<vmem>>, %arg14: memref<1x65xf32, #tpu.memory_space<vmem>>, %arg15: memref<1024x65xf32, #tpu.memory_space<vmem>>) attributes {dimension_semantics = [#tpu.dimension_semantics<arbitrary>], iteration_bounds = array<i64: 16>, scalar_prefetch = 0 : i64, scratch_operands = 0 : i64, tpu.core_type = #tpu.core_type<tc>, window_params = [{transform_indices = @transform_0, window_bounds = array<i64: 64, 64>}, {transform_indices = @transform_1, window_bounds = array<i64: 64, 65>}, {transform_indices = @transform_2, window_bounds = array<i64: 1024, 1>}, {pipeline_mode = #tpu.pipeline_mode<synchronous>, transform_indices = @transform_3, window_bounds = array<i64: 17, 5>}, {pipeline_mode = #tpu.pipeline_mode<synchronous>, transform_indices = @transform_4, window_bounds = array<i64: 512, 64>}, {pipeline_mode = #tpu.pipeline_mode<synchronous>, transform_indices = @transform_5, window_bounds = array<i64: 512, 5>}, {pipeline_mode = #tpu.pipeline_mode<synchronous>, transform_indices = @transform_6, window_bounds = array<i64: 512, 65>}, {pipeline_mode = #tpu.pipeline_mode<synchronous>, transform_indices = @transform_7, window_bounds = array<i64: 1, 512>}, {pipeline_mode = #tpu.pipeline_mode<synchronous>, transform_indices = @transform_8, window_bounds = array<i64: 512, 512>}, {pipeline_mode = #tpu.pipeline_mode<synchronous>, transform_indices = @transform_9, window_bounds = array<i64: 1, 512>}, {pipeline_mode = #tpu.pipeline_mode<synchronous>, transform_indices = @transform_10, window_bounds = array<i64: 512, 512>}, {pipeline_mode = #tpu.pipeline_mode<synchronous>, transform_indices = @transform_11, window_bounds = array<i64: 1, 512>}, {pipeline_mode = #tpu.pipeline_mode<synchronous>, transform_indices = @transform_12, window_bounds = array<i64: 65, 512>}, {pipeline_mode = #tpu.pipeline_mode<synchronous>, transform_indices = @transform_13, window_bounds = array<i64: 1, 65>}, {transform_indices = @transform_14, window_bounds = array<i64: 1024, 65>}]} {
    %get3A = arith.constant 0 : index
    %get3A_0 = arith.constant 0 : index
    %get3A_1 = vector.load %arg3[%get3A, %get3A_0] : memref<1024x1xi32, #tpu.memory_space<vmem>>, vector<1024x1xi32>
    %iota3A = tpu.iota {dimensions = array<i32: 1>} : vector<1024x17xi32>
    %eq3A = vector.broadcast %get3A_1 : vector<1024x1xi32> to vector<1024x17xi32>
    %eq3A_2 = arith.cmpi eq, %eq3A, %iota3A : vector<1024x17xi32>
    %convert_element_type3A = arith.extui %eq3A_2 : vector<1024x17xi1> to vector<1024x17xi32>
    %convert_element_type3A_3 = arith.sitofp %convert_element_type3A : vector<1024x17xi32> to vector<1024x17xf32>
    %iota3A_4 = tpu.iota {dimensions = array<i32: 0>} : vector<1024x64xi32>
    %jit3A = arith.constant 16 : i32
    %div3A = vector.broadcast %jit3A : i32 to vector<1024x64xi32>
    %div3A_5 = arith.divsi %iota3A_4, %div3A : vector<1024x64xi32>
    %sign3A = arith.constant 0 : i32
    %sign3A_6 = vector.broadcast %sign3A : i32 to vector<1024x64xi32>
    %sign3A_7 = arith.cmpi sgt, %iota3A_4, %sign3A_6 : vector<1024x64xi32>
    %sign3A_8 = arith.extui %sign3A_7 : vector<1024x64xi1> to vector<1024x64xi32>
    %sign3A_9 = arith.constant 0 : i32
    %sign3A_10 = vector.broadcast %sign3A_9 : i32 to vector<1024x64xi32>
    %sign3A_11 = arith.cmpi slt, %iota3A_4, %sign3A_10 : vector<1024x64xi32>
    %sign3A_12 = arith.extui %sign3A_11 : vector<1024x64xi1> to vector<1024x64xi32>
    %sign3A_13 = arith.subi %sign3A_8, %sign3A_12 : vector<1024x64xi32>
    %sign3A_14 = arith.constant 0 : i32
    %sign3A_15 = arith.cmpi sgt, %jit3A, %sign3A_14 : i32
    %sign3A_16 = arith.extui %sign3A_15 : i1 to i32
    %sign3A_17 = arith.constant 0 : i32
    %sign3A_18 = arith.cmpi slt, %jit3A, %sign3A_17 : i32
    %sign3A_19 = arith.extui %sign3A_18 : i1 to i32
    %sign3A_20 = arith.subi %sign3A_16, %sign3A_19 : i32
    %ne3A = vector.broadcast %sign3A_20 : i32 to vector<1024x64xi32>
    %ne3A_21 = arith.cmpi ne, %sign3A_13, %ne3A : vector<1024x64xi32>
    %rem3A = vector.broadcast %jit3A : i32 to vector<1024x64xi32>
    %rem3A_22 = arith.remsi %iota3A_4, %rem3A : vector<1024x64xi32>
    %ne3A_23 = arith.constant 0 : i32
    %ne3A_24 = vector.broadcast %ne3A_23 : i32 to vector<1024x64xi32>
    %ne3A_25 = arith.cmpi ne, %rem3A_22, %ne3A_24 : vector<1024x64xi32>
    %and3A = arith.andi %ne3A_21, %ne3A_25 : vector<1024x64xi1>
    %sub3A = arith.constant 1 : i32
    %sub3A_26 = vector.broadcast %sub3A : i32 to vector<1024x64xi32>
    %sub3A_27 = arith.subi %div3A_5, %sub3A_26 : vector<1024x64xi32>
    %select_n3A = arith.select %and3A, %sub3A_27, %div3A_5 : vector<1024x64xi1>, vector<1024x64xi32>
    %iota3A_28 = tpu.iota {dimensions = array<i32: 1>} : vector<1024x64xi32>
    %eq3A_29 = arith.cmpi eq, %select_n3A, %iota3A_28 : vector<1024x64xi32>
    %convert_element_type3A_30 = arith.extui %eq3A_29 : vector<1024x64xi1> to vector<1024x64xi32>
    %convert_element_type3A_31 = arith.sitofp %convert_element_type3A_30 : vector<1024x64xi32> to vector<1024x64xf32>
    %concatenate3A = tpu.concatenate %convert_element_type3A_3, %convert_element_type3A_31 in 1 : vector<1024x17xf32>, vector<1024x64xf32> -> vector<1024x81xf32>
    %get3A_32 = arith.constant 0 : index
    %get3A_33 = arith.constant 0 : index
    %get3A_34 = vector.load %arg4[%get3A_32, %get3A_33] : memref<17x5xf32, #tpu.memory_space<vmem>>, vector<17x5xf32>
    %get3A_35 = arith.constant 0 : index
    %get3A_36 = arith.constant 0 : index
    %get3A_37 = vector.load %arg6[%get3A_35, %get3A_36] : memref<512x5xf32, #tpu.memory_space<vmem>>, vector<512x5xf32>
    %convert_element_type3A_38 = arith.truncf %get3A_34 : vector<17x5xf32> to vector<17x5xbf16>
    %convert_element_type3A_39 = arith.truncf %get3A_37 : vector<512x5xf32> to vector<512x5xbf16>
    %dot_general3A = arith.constant dense<0.000000e+00> : vector<17x512xf32>
    %dot_general3A_40 = tpu.matmul %convert_element_type3A_38, %convert_element_type3A_39, %dot_general3A {dimension_numbers = #tpu.dot_dimension_numbers<[1], [1], [0], [0], [0, 0, 1, 0], [], []>, transpose_lhs_hint = false} : vector<17x5xbf16>, vector<512x5xbf16>, vector<17x512xf32> -> vector<17x512xf32>
    %get3A_41 = arith.constant 0 : index
    %get3A_42 = arith.constant 0 : index
    %get3A_43 = vector.load %arg1[%get3A_41, %get3A_42] : memref<64x64xf32, #tpu.memory_space<vmem>>, vector<64x64xf32>
    %get3A_44 = arith.constant 0 : index
    %get3A_45 = arith.constant 0 : index
    %get3A_46 = vector.load %arg5[%get3A_44, %get3A_45] : memref<512x64xf32, #tpu.memory_space<vmem>>, vector<512x64xf32>
    %convert_element_type3A_47 = arith.truncf %get3A_43 : vector<64x64xf32> to vector<64x64xbf16>
    %convert_element_type3A_48 = arith.truncf %get3A_46 : vector<512x64xf32> to vector<512x64xbf16>
    %dot_general3A_49 = arith.constant dense<0.000000e+00> : vector<64x512xf32>
    %dot_general3A_50 = tpu.matmul %convert_element_type3A_47, %convert_element_type3A_48, %dot_general3A_49 {dimension_numbers = #tpu.dot_dimension_numbers<[1], [1], [0], [0], [0, 0, 1, 0], [], []>, transpose_lhs_hint = false} : vector<64x64xbf16>, vector<512x64xbf16>, vector<64x512xf32> -> vector<64x512xf32>
    %get3A_51 = arith.constant 0 : index
    %get3A_52 = arith.constant 0 : index
    %get3A_53 = vector.load %arg2[%get3A_51, %get3A_52] : memref<64x65xf32, #tpu.memory_space<vmem>>, vector<64x65xf32>
    %get3A_54 = arith.constant 0 : index
    %get3A_55 = arith.constant 0 : index
    %get3A_56 = vector.load %arg7[%get3A_54, %get3A_55] : memref<512x65xf32, #tpu.memory_space<vmem>>, vector<512x65xf32>
    %convert_element_type3A_57 = arith.truncf %get3A_53 : vector<64x65xf32> to vector<64x65xbf16>
    %convert_element_type3A_58 = arith.truncf %get3A_56 : vector<512x65xf32> to vector<512x65xbf16>
    %dot_general3A_59 = arith.constant dense<0.000000e+00> : vector<64x512xf32>
    %dot_general3A_60 = tpu.matmul %convert_element_type3A_57, %convert_element_type3A_58, %dot_general3A_59 {dimension_numbers = #tpu.dot_dimension_numbers<[1], [1], [0], [0], [0, 0, 1, 0], [], []>, transpose_lhs_hint = false} : vector<64x65xbf16>, vector<512x65xbf16>, vector<64x512xf32> -> vector<64x512xf32>
    %add3A = arith.addf %dot_general3A_50, %dot_general3A_60 : vector<64x512xf32>
    %get3A_61 = arith.constant 0 : index
    %get3A_62 = arith.constant 0 : index
    %get3A_63 = vector.load %arg8[%get3A_61, %get3A_62] : memref<1x512xf32, #tpu.memory_space<vmem>>, vector<1x512xf32>
    %add3A_64 = vector.broadcast %get3A_63 : vector<1x512xf32> to vector<64x512xf32>
    %add3A_65 = arith.addf %add3A, %add3A_64 : vector<64x512xf32>
    %concatenate3A_66 = tpu.concatenate %dot_general3A_40, %add3A_65 in 0 : vector<17x512xf32>, vector<64x512xf32> -> vector<81x512xf32>
    %convert_element_type3A_67 = arith.truncf %concatenate3A : vector<1024x81xf32> to vector<1024x81xbf16>
    %convert_element_type3A_68 = arith.truncf %concatenate3A_66 : vector<81x512xf32> to vector<81x512xbf16>
    %dot_general3A_69 = arith.constant dense<0.000000e+00> : vector<1024x512xf32>
    %dot_general3A_70 = tpu.matmul %convert_element_type3A_67, %convert_element_type3A_68, %dot_general3A_69 {dimension_numbers = #tpu.dot_dimension_numbers<[1], [0], [0], [1], [0, 0, 1, 1], [], []>, transpose_lhs_hint = false} : vector<1024x81xbf16>, vector<81x512xbf16>, vector<1024x512xf32> -> vector<1024x512xf32>
    %max3A = arith.constant 0.000000e+00 : f32
    %max3A_71 = vector.broadcast %max3A : f32 to vector<1024x512xf32>
    %max3A_72 = arith.maximumf %dot_general3A_70, %max3A_71 : vector<1024x512xf32>
    %get3A_73 = arith.constant 0 : index
    %get3A_74 = arith.constant 0 : index
    %get3A_75 = vector.load %arg9[%get3A_73, %get3A_74] : memref<512x512xf32, #tpu.memory_space<vmem>>, vector<512x512xf32>
    %convert_element_type3A_76 = arith.truncf %max3A_72 : vector<1024x512xf32> to vector<1024x512xbf16>
    %convert_element_type3A_77 = arith.truncf %get3A_75 : vector<512x512xf32> to vector<512x512xbf16>
    %dot_general3A_78 = arith.constant dense<0.000000e+00> : vector<1024x512xf32>
    %dot_general3A_79 = tpu.matmul %convert_element_type3A_76, %convert_element_type3A_77, %dot_general3A_78 {dimension_numbers = #tpu.dot_dimension_numbers<[1], [1], [0], [0], [0, 0, 1, 0], [], []>, transpose_lhs_hint = false} : vector<1024x512xbf16>, vector<512x512xbf16>, vector<1024x512xf32> -> vector<1024x512xf32>
    %get3A_80 = arith.constant 0 : index
    %get3A_81 = arith.constant 0 : index
    %get3A_82 = vector.load %arg10[%get3A_80, %get3A_81] : memref<1x512xf32, #tpu.memory_space<vmem>>, vector<1x512xf32>
    %add3A_83 = vector.broadcast %get3A_82 : vector<1x512xf32> to vector<1024x512xf32>
    %add3A_84 = arith.addf %dot_general3A_79, %add3A_83 : vector<1024x512xf32>
    %max3A_85 = arith.constant 0.000000e+00 : f32
    %max3A_86 = vector.broadcast %max3A_85 : f32 to vector<1024x512xf32>
    %max3A_87 = arith.maximumf %add3A_84, %max3A_86 : vector<1024x512xf32>
    %get3A_88 = arith.constant 0 : index
    %get3A_89 = arith.constant 0 : index
    %get3A_90 = vector.load %arg11[%get3A_88, %get3A_89] : memref<512x512xf32, #tpu.memory_space<vmem>>, vector<512x512xf32>
    %convert_element_type3A_91 = arith.truncf %max3A_87 : vector<1024x512xf32> to vector<1024x512xbf16>
    %convert_element_type3A_92 = arith.truncf %get3A_90 : vector<512x512xf32> to vector<512x512xbf16>
    %dot_general3A_93 = arith.constant dense<0.000000e+00> : vector<1024x512xf32>
    %dot_general3A_94 = tpu.matmul %convert_element_type3A_91, %convert_element_type3A_92, %dot_general3A_93 {dimension_numbers = #tpu.dot_dimension_numbers<[1], [1], [0], [0], [0, 0, 1, 0], [], []>, transpose_lhs_hint = false} : vector<1024x512xbf16>, vector<512x512xbf16>, vector<1024x512xf32> -> vector<1024x512xf32>
    %get3A_95 = arith.constant 0 : index
    %get3A_96 = arith.constant 0 : index
    %get3A_97 = vector.load %arg12[%get3A_95, %get3A_96] : memref<1x512xf32, #tpu.memory_space<vmem>>, vector<1x512xf32>
    %add3A_98 = vector.broadcast %get3A_97 : vector<1x512xf32> to vector<1024x512xf32>
    %add3A_99 = arith.addf %dot_general3A_94, %add3A_98 : vector<1024x512xf32>
    %max3A_100 = arith.constant 0.000000e+00 : f32
    %max3A_101 = vector.broadcast %max3A_100 : f32 to vector<1024x512xf32>
    %max3A_102 = arith.maximumf %add3A_99, %max3A_101 : vector<1024x512xf32>
    %get3A_103 = arith.constant 0 : index
    %get3A_104 = arith.constant 0 : index
    %get3A_105 = vector.load %arg13[%get3A_103, %get3A_104] : memref<65x512xf32, #tpu.memory_space<vmem>>, vector<65x512xf32>
    %convert_element_type3A_106 = arith.truncf %max3A_102 : vector<1024x512xf32> to vector<1024x512xbf16>
    %convert_element_type3A_107 = arith.truncf %get3A_105 : vector<65x512xf32> to vector<65x512xbf16>
    %dot_general3A_108 = arith.constant dense<0.000000e+00> : vector<1024x65xf32>
    %dot_general3A_109 = tpu.matmul %convert_element_type3A_106, %convert_element_type3A_107, %dot_general3A_108 {dimension_numbers = #tpu.dot_dimension_numbers<[1], [1], [0], [0], [0, 0, 1, 0], [], []>, transpose_lhs_hint = false} : vector<1024x512xbf16>, vector<65x512xbf16>, vector<1024x65xf32> -> vector<1024x65xf32>
    %get3A_110 = arith.constant 0 : index
    %get3A_111 = arith.constant 0 : index
    %get3A_112 = vector.load %arg14[%get3A_110, %get3A_111] : memref<1x65xf32, #tpu.memory_space<vmem>>, vector<1x65xf32>
    %add3A_113 = vector.broadcast %get3A_112 : vector<1x65xf32> to vector<1024x65xf32>
    %add3A_114 = arith.addf %dot_general3A_109, %add3A_113 : vector<1024x65xf32>
    %swap3A = arith.constant 0 : index
    %swap3A_115 = arith.constant 0 : index
    %swap3A_116 = vector.load %arg15[%swap3A, %swap3A_115] : memref<1024x65xf32, #tpu.memory_space<vmem>>, vector<1024x65xf32>
    tpu.vector_store %arg15[%swap3A, %swap3A_115], %add3A_114 {strides = array<i32>} : memref<1024x65xf32, #tpu.memory_space<vmem>>, vector<1024x65xf32>,
    return
  }
  func.func @transform_0(%arg0: i32) -> (i32, i32) {
    %c0_i32 = arith.constant 0 : i32
    %c0_i32_0 = arith.constant 0 : i32
    return %arg0, %c0_i32 : i32, i32
  }
  func.func @transform_1(%arg0: i32) -> (i32, i32) {
    %c0_i32 = arith.constant 0 : i32
    %c0_i32_0 = arith.constant 0 : i32
    return %arg0, %c0_i32 : i32, i32
  }
  func.func @transform_2(%arg0: i32) -> (i32, i32) {
    %c0_i32 = arith.constant 0 : i32
    %c0_i32_0 = arith.constant 0 : i32
    return %arg0, %c0_i32 : i32, i32
  }
  func.func @transform_3(%arg0: i32) -> (i32, i32) {
    %c0_i32 = arith.constant 0 : i32
    %c0_i32_0 = arith.constant 0 : i32
    %c0_i32_1 = arith.constant 0 : i32
    return %c0_i32, %c0_i32_0 : i32, i32
  }
  func.func @transform_4(%arg0: i32) -> (i32, i32) {
    %c0_i32 = arith.constant 0 : i32
    %c0_i32_0 = arith.constant 0 : i32
    %c0_i32_1 = arith.constant 0 : i32
    return %c0_i32, %c0_i32_0 : i32, i32
  }
  func.func @transform_5(%arg0: i32) -> (i32, i32) {
    %c0_i32 = arith.constant 0 : i32
    %c0_i32_0 = arith.constant 0 : i32
    %c0_i32_1 = arith.constant 0 : i32
    return %c0_i32, %c0_i32_0 : i32, i32
  }
  func.func @transform_6(%arg0: i32) -> (i32, i32) {
    %c0_i32 = arith.constant 0 : i32
    %c0_i32_0 = arith.constant 0 : i32
    %c0_i32_1 = arith.constant 0 : i32
    return %c0_i32, %c0_i32_0 : i32, i32
  }
  func.func @transform_7(%arg0: i32) -> (i32, i32) {
    %c0_i32 = arith.constant 0 : i32
    %c0_i32_0 = arith.constant 0 : i32
    %c0_i32_1 = arith.constant 0 : i32
    return %c0_i32, %c0_i32_0 : i32, i32
  }
  func.func @transform_8(%arg0: i32) -> (i32, i32) {
    %c0_i32 = arith.constant 0 : i32
    %c0_i32_0 = arith.constant 0 : i32
    %c0_i32_1 = arith.constant 0 : i32
    return %c0_i32, %c0_i32_0 : i32, i32
  }
  func.func @transform_9(%arg0: i32) -> (i32, i32) {
    %c0_i32 = arith.constant 0 : i32
    %c0_i32_0 = arith.constant 0 : i32
    %c0_i32_1 = arith.constant 0 : i32
    return %c0_i32, %c0_i32_0 : i32, i32
  }
  func.func @transform_10(%arg0: i32) -> (i32, i32) {
    %c0_i32 = arith.constant 0 : i32
    %c0_i32_0 = arith.constant 0 : i32
    %c0_i32_1 = arith.constant 0 : i32
    return %c0_i32, %c0_i32_0 : i32, i32
  }
  func.func @transform_11(%arg0: i32) -> (i32, i32) {
    %c0_i32 = arith.constant 0 : i32
    %c0_i32_0 = arith.constant 0 : i32
    %c0_i32_1 = arith.constant 0 : i32
    return %c0_i32, %c0_i32_0 : i32, i32
  }
  func.func @transform_12(%arg0: i32) -> (i32, i32) {
    %c0_i32 = arith.constant 0 : i32
    %c0_i32_0 = arith.constant 0 : i32
    %c0_i32_1 = arith.constant 0 : i32
    return %c0_i32, %c0_i32_0 : i32, i32
  }
  func.func @transform_13(%arg0: i32) -> (i32, i32) {
    %c0_i32 = arith.constant 0 : i32
    %c0_i32_0 = arith.constant 0 : i32
    %c0_i32_1 = arith.constant 0 : i32
    return %c0_i32, %c0_i32_0 : i32, i32
  }
  func.func @transform_14(%arg0: i32) -> (i32, i32) {
    %c0_i32 = arith.constant 0 : i32
    %c0_i32_0 = arith.constant 0 : i32
    return %arg0, %c0_i32 : i32, i32
  }
}

</mosaic_0001>

<sc_bundles>
// kernel: kernel.8.cloned.1.call-start
scs
__scs_entry_jumppad:
0x0: {  	(pc) =	sbr.rel $0x88, $3  }
0x1: {  	(tag) =	ssettag $0x0;
	lr =	simm.s32 $0x1  }
0x2: {  	[smem:$0x3F79] =	sst lr;
	_ =	strace $0xD0000000  }
0x3: {  	_ = 	snop  }
0x4: {  	_ = 	snop  }
0x5: {  	_ = 	snop  }
0x6: {  	_ = 	snop  }
0x7: {  	_ = 	snop  }
__scs_overlays_trampoline_lowered:
0x8: {  	[smem:$0x3F88] =	sst s0  }
0x9: {  	[smem:$0x3F89] =	sst s1  }
0xa: {  	[smem:$0x3F8A] =	sst s2  }
0xb: {  	[smem:$0x3F8B] =	sst s3  }
0xc: {  	[smem:$0x3F8C] =	sst s4  }
0xd: {  	[smem:$0x3F8D] =	sst s5  }
0xe: {  	[smem:$0x3F8E] =	sst s6  }
0xf: {  	[smem:$0x3F8F] =	sst s7  }
0x10: {  	[smem:$0x3F90] =	sst s8  }
0x11: {  	[smem:$0x3F91] =	sst s9;
	s0 =	simm.s32 @!p0 $0x0  }
0x12: {  	s1 =	sld [smem:$0x3F77];
	s0 =	simm.s32 @p0 $0x1  }
0x13: {  	[smem:$0x3F92] =	sst s0;
	s0 =	simm.s32 @!p1 $0x0  }
0x14: {  	s2 =	sld [smem:$0x3F76];
	s0 =	simm.s32 @p1 $0x1  }
0x15: {  	[smem:$0x3F93] =	sst s0;
	s0 =	simm.s32 @!p2 $0x0  }
0x16: {  	s3 =	sld [smem:$0x3FDB];
	s0 =	simm.s32 @p2 $0x1  }
0x17: {  	s4 =	simm.s32 $0x1BF5;
	[smem:$0x3F95] =	sst s0  }
0x18: {  	s0 =	sld [smem:$0x3F78];
	_ =	swait.ge [sflag:s4], $0x0  }
0x19: {  	s7 =	sld [smem:$0x3F79]  }
0x1a: {  	s8 =	sadd.s32 $0xFFFFE003, lr  }
0x1b: {  	s9 =	sadd.s32 $0xFFFFFEF7, lr;
	s5 =	simm.s32 $0xFFFFFFFF;
	p2 =	slt.u32 s8, $0xFFFFF086  }
0x1c: {  	p1 =	slt.u32 s9, $0xF7A;
	s5 =	simm.s32 @!p2 $0x0  }
0x1d: {  	s5 =	simm.s32 @p1 $0x1;
	p0 =	seq.s32 s7, s2  }
0x1e: {  	s7 =	smul.u32 @!p0 $0xF7A, s2;
	p2 =	seq.s32 @!p0 s5, $0x0  }
0x1f: {  	s9 =	smul.u32 $0xF7A, s1;
	s8 =	simm.s32 @!p0 $0x1BF5;
	p2 =	por !p2, p0  }
0x20: {  	[sflag:s8] =	ssyncset.s32 @!p0 $0xFFFFF086;
	s6 =	sadd.s32 @!p0 s3, s7;
	s7 =	simm.s32 @!p0 $0x108  }
0x21: {  	s3 =	sadd.s32 s3, s9;
	s6 =	sadd.s32 @!p0 $0x88, s6;
	s7 =	simm.s32 @p2 $0x1082  }
0x22: {  	[simem:s7], [sflag:s8] =	dma.local @!p0 [hbm:s6], $0xF7A  }
0x23: {  	s9 =	sor.u32 $0xD0000000, s2;
	s6 =	simm.s32 $0x108;
	_ =	swait.ge @!p0 [sflag:s8], $0x0  }
0x24: {  	s3 =	sadd.s32 $0x88, s3;
	s6 =	simm.s32 @!p1 $0x1082;
	[sflag:s4] =	ssyncset.s32 $0xFFFFF086  }
0x25: {  	[simem:s6], [sflag:s4] =	dma.local [hbm:s3], $0xF7A  }
0x26: {  	[smem:$0x3F79] =	sst s1;
	(tag) =	ssettag s2;
	_ =	strace s9  }
0x27: {  	s1 =	sld [smem:$0x3F89]  }
0x28: {  	s2 =	sld [smem:$0x3F8A]  }
0x29: {  	s4 =	sld [smem:$0x3F8C]  }
0x2a: {  	p0 =	seq.s32 s5, $0x0;
	s5 =	sld [smem:$0x3F8D]  }
0x2b: {  	s6 =	sld [smem:$0x3F8E]  }
0x2c: {  	s7 =	sld [smem:$0x3F8F]  }
0x2d: {  	s3 =	simm.s32 $0x108;
	s8 =	sld [smem:$0x3F90]  }
0x2e: {  	s3 =	simm.s32 @!p0 $0x1082;
	s9 =	sld [smem:$0x3F91]  }
0x2f: {  	lr =	sadd.s32 s0, s3;
	s0 =	sld [smem:$0x3F88]  }
0x30: {  	s3 =	sld [smem:$0x3F8B]  }
0x31: {  	[smem:$0x3F94] =	sst s10  }
0x32: {  	s10 =	sld [smem:$0x3F92];
	_ =	sdelay $0x3  }
0x33: {  	p0 =	seq.s32 s10, $0x1;
	s10 =	sld [smem:$0x3F94];
	_ =	sdelay $0x3  }
0x34: {  	[smem:$0x3F94] =	sst s10  }
0x35: {  	s10 =	sld [smem:$0x3F93];
	_ =	sdelay $0x3  }
0x36: {  	p1 =	seq.s32 s10, $0x1;
	s10 =	sld [smem:$0x3F94];
	_ =	sdelay $0x3  }
0x37: {  	[smem:$0x3F94] =	sst s10  }
0x38: {  	s10 =	sld [smem:$0x3F95]  }
0x39: {  	_ = 	snop;
	(pc) =	sbr.ind lr, $3  }
0x3a: {  	_ = 	snop  }
0x3b: {  	_ = 	snop  }
0x3c: {  	p2 =	seq.s32 s10, $0x1;
	s10 =	sld [smem:$0x3F94]  }
0x3d: {  	_ =	shalt  }
0x3e: {  	_ =	shalt  }
0x3f: {  	_ =	shalt  }
0x40: {  	_ =	shalt  }
0x41: {  	_ =	shalt  }
0x42: {  	_ =	shalt  }
0x43: {  	_ =	shalt  }
0x44: {  	_ =	shalt  }
0x45: {  	_ =	shalt  }
0x46: {  	_ =	shalt  }
0x47: {  	_ =	shalt  }
0x48: {  	_ =	shalt  }
0x49: {  	_ =	shalt  }
0x4a: {  	_ =	shalt  }
0x4b: {  	_ =	shalt  }
0x4c: {  	_ =	shalt  }
0x4d: {  	_ =	shalt  }
0x4e: {  	_ =	shalt  }
0x4f: {  	_ =	shalt  }
0x50: {  	_ =	shalt  }
0x51: {  	_ =	shalt  }
0x52: {  	_ =	shalt  }
0x53: {  	_ =	shalt  }
0x54: {  	_ =	shalt  }
0x55: {  	_ =	shalt  }
0x56: {  	_ =	shalt  }
0x57: {  	_ =	shalt  }
0x58: {  	_ =	shalt  }
0x59: {  	_ =	shalt  }
0x5a: {  	_ =	shalt  }
0x5b: {  	_ =	shalt  }
0x5c: {  	_ =	shalt  }
0x5d: {  	_ =	shalt  }
0x5e: {  	_ =	shalt  }
0x5f: {  	_ =	shalt  }
0x60: {  	_ =	shalt  }
0x61: {  	_ =	shalt  }
0x62: {  	_ =	shalt  }
0x63: {  	_ =	shalt  }
0x64: {  	_ =	shalt  }
0x65: {  	_ =	shalt  }
0x66: {  	_ =	shalt  }
0x67: {  	_ =	shalt  }
0x68: {  	_ =	shalt  }
0x69: {  	_ =	shalt  }
0x6a: {  	_ =	shalt  }
0x6b: {  	_ =	shalt  }
0x6c: {  	_ =	shalt  }
0x6d: {  	_ =	shalt  }
0x6e: {  	_ =	shalt  }
0x6f: {  	_ =	shalt  }
0x70: {  	_ =	shalt  }
0x71: {  	_ =	shalt  }
0x72: {  	_ =	shalt  }
0x73: {  	_ =	shalt  }
0x74: {  	_ =	shalt  }
0x75: {  	_ =	shalt  }
0x76: {  	_ =	shalt  }
0x77: {  	_ =	shalt  }
0x78: {  	_ =	shalt  }
0x79: {  	_ =	shalt  }
0x7a: {  	_ =	shalt  }
0x7b: {  	_ =	shalt  }
0x7c: {  	_ =	shalt  }
0x7d: {  	_ =	shalt  }
0x7e: {  	_ =	shalt  }
0x7f: {  	_ =	shalt  }
0x80: {  	_ =	shalt  }
0x81: {  	_ =	shalt  }
0x82: {  	_ =	shalt  }
0x83: {  	_ =	shalt  }
0x84: {  	_ =	shalt  }
0x85: {  	_ =	shalt  }
0x86: {  	_ =	shalt  }
0x87: {  	_ =	shalt  }
.Lfunc_end0:
.L_simem_size_0:
called_computation_lowered:
.L_overlay_start_0:
0x88: {  	s2 =	sld [smem:$0x3FD9]  }
0x89: {  	s3 =	sld [smem:$0x3FFE];
	_ =	sdelay $0x1  }
0x8a: {  	s1 =	srdreg.scid  }
0x8b: {  	s0 =	sand.u32 $0x1, s1  }
0x8c: {  	s14 =	sshll.u32 s0, $0xA;
	s2 =	sadd.s32 s3, s2  }
0x8d: {  	s2 =	sadd.s32 s2, s14  }
0x8e: {  	[smem:$0x3FA0] =	sst s2  }
0x8f: {  	_ = 	snop  }
0x90: {  	s2 =	sld [smem:$0x3FD0];
	_ =	sdelay $0x2  }
0x91: {  	s15 =	simm.s32 $0xA;
	s4 =	simm.s32 $0x10  }
0x92: {  	[smem:s4], [sflag:s15] =	dma.local [hbm:s2], $0x1  }
0x93: {  	_ =	swait.eq [sflag:s15], $0x1  }
0x94: {  	[sflag:s15] =	ssyncset.done $0x0  }
0x95: {  	s16 =	sld [smem:$0x10];
	[sflag:s15] =	ssyncadd.s32 $0xFFFFFFFF  }
0x96: {  	s17 =	sld [smem:$0x12];
	(tm) =	ssettm $0x1  }
0x97: {  	s18 =	sld [smem:$0x3FFB];
	_ =	sdelay $0x3  }
0x98: {  	_ =	strace s18  }
0x99: {  	s4 =	sld [smem:$0x3FFC];
	_ =	sdelay $0x3  }
0x9a: {  	_ =	strace s4  }
0x9b: {  	s4 =	sld [smem:$0x3FFD];
	_ =	sdelay $0x3  }
0x9c: {  	_ =	strace s4  }
0x9d: {  	_ =	strace $0x8FFFFFFF  }
0x9e: {  	s19 =	sld [smem:$0x3FDB];
	_ =	sdelay $0x1  }
0x9f: {  	s5 =	simm.s32 $_scs_section_size  }
0xa0: {  	s6 =	simm.s32 $_size__tile_overlayer_lowered;
	s7 =	simm.s32 $_tile_overlayer_lowered  }
0xa1: {  	s22 =	simm.s32 $0x1BFF;
	s21 =	sshll.u32 s7, $0x1;
	s4 =	sadd.s32 s5, s19  }
0xa2: {  	s8 =	simm.s32 $0x0;
	s20 =	sshll.u32 s6, $0x1;
	s6 =	sadd.s32 s21, s4  }
0xa3: {  	[timem:s8], [sflag:s22] =	dma.local [hbm:s6], s20  }
0xa4: {  	_ =	swait.ge [sflag:s22], s20  }
0xa5: {  	s5 =	ssub.s32 $0x0, s20;
	[sflag:s22] =	ssyncset.done $0x0  }
0xa6: {  	[sflag:s22] =	ssyncadd.s32 s5;
	_ =	sdelay $0x1  }
0xa7: {  	s23 =	simm.s32 $0x1B8B  }
0xa8: {  	_ =	swait.ge [sflag:s23], $0x1  }
0xa9: {  	[sflag:s23] =	ssyncset.done $0x0  }
0xaa: {  	s25 =	simm.s32 $0x1B8E;
	s24 =	sld [smem:$0x3FFE];
	[sflag:s23] =	ssyncadd.s32 $0xFFFFFFFF  }
0xab: {  	s26 =	simm.s32 $execute0_lowered;
	[smem:$0x3FD2] =	sst s25  }
0xac: {  	s6 =	sshll.u32 s26, $0x1;
	_ =	strace $0x80000046;
	[dreg:$0x1] =	wrdreg $0xFFFFFFFF  }
0xad: {  	s28 =	simm.s32 $_size_execute0_lowered;
	s4 =	sadd.s32 s4, s6;
	[dreg:$0x0] =	wrdreg $0x0  }
0xae: {  	s6 =	sshll.u32 s28, $0x1;
	[dreg:$0x2] =	wrdreg s4  }
0xaf: {  	[dreg:$0x3] =	wrdreg s6  }
0xb0: {  	[dreg:$0x4] =	wrdreg $0xC0  }
0xb1: {  	_ =	task [dreg:s8], $0x5FFFF  }
0xb2: {  	[dreg:$0x1] =	wrdreg $0xFFFFFFFF  }
0xb3: {  	[dreg:$0x0] =	wrdreg $0x60  }
0xb4: {  	[dreg:$0x2] =	wrdreg s24  }
0xb5: {  	[dreg:$0x3] =	wrdreg s17  }
0xb6: {  	[dreg:$0x4] =	wrdreg s16  }
0xb7: {  	[dreg:$0x5] =	wrdreg $0x9  }
0xb8: {  	_ =	task.clear_ibuf [dreg:s8], $0x6FFFF;
	_ =	strace $0x90000046  }
0xb9: {  	s29 =	simm.s32 $0x9;
	_ =	strace $0x80000048  }
0xba: {  	_ =	swait.ge [sflag:s29], $0x1  }
0xbb: {  	[sflag:s29] =	ssyncadd.s32 $0xFFFFFFFF  }
0xbc: {  	_ =	strace $0x90000048  }
0xbd: {  	_ =	sfence  }
0xbe: {  	s30 =	sld [smem:$0x0];
	_ =	sdelay $0x2  }
0xbf: {  	s31 =	sshll.u32 s1, $0xD;
	s1 =	sshrl.u32 s1, $0x2  }
0xc0: {  	s3 =	sand.u32 $0x4000, s31;
	s1 =	sadd.s32 s1, s30  }
0xc1: {  	s0 =	sor.u32 s3, s0;
	s1 =	sshll.u32 s1, $0x11  }
0xc2: {  	s0 =	sor.u32 s1, s0  }
0xc3: {  	s0 =	sadd.s32 $0x8F2B, s0  }
0xc4: {  	[sflag:s0] =	ssyncadd.remote.s32 $0x1  }
0xc5: {  	_ =	sfence.sel $0xFFFF  }
0xc6: {  	[dreg:$0x0] =	wrdreg $0xFFFFFFFF;
	(pc) =	sbr.abs _section_cstart, $3  }
0xc7: {  	[dreg:$0x1] =	wrdreg $0xFFFFFFFF  }
0xc8: {  	_ =	task.clear_ibuf [dreg:s8], $0x2FFFF;
	_ =	strace $0x9FFFFFFF  }
0xc9: {  	(tm) =	ssettm $0x7FFFFFFF  }
tec
execute0_lowered:
.L_overlay_start_1:
0x0: {  	(tag) =	ssettag $0x1  }
0x1: {  	s5 =	rddreg [dreg:$0x0]  }
0x2: {  	s1 =	srdreg.scid;
	s3 =	rddreg [dreg:$0x1]  }
0x3: {  	s0 =	stileid.u32;
	s8 =	rddreg [dreg:$0x2];
	s6 =	sand.u32 $0x1, s1  }
0x4: {  	s2 =	simm.s32 $0x0;
	s4 =	sshll.u32 s0, $0x6;
	s7 =	sshll.u32 s6, $0x5  }
0x5: {  	[smem:$0x7FF] =	sst s2;
	s9 =	sor.u32 s7, s4  }
0x6: {  	s1 =	rddreg [dreg:$0x3];
	_ =	strace $0x80000047;
	s4 =	sshrl.u32 s9, $0x3  }
0x7: {  	s10 =	ssub.s32 $0x2, s6;
	s4 =	sadd.s32 s3, s4;
	s3 =	simm.s32 $0x2  }
0x8: {  	[tilespmem:s2], [sflag:$0x2] =	stream.linear.gather [hbm4b:s4+s2], $0x20, $0x38;
	[tilespmem:$0x820] =	vst v63  }
0x9: {  	s5 =	sadd.s32 $0xF6A00, s5;
	s11 =	sshrl.u32 s10, $0x1;
	_ =	swait.ge [sflag:s3], $0x20  }
0xa: {  	s6 =	simm.s32 $0x20;
	s10 =	ssub.s32 s10, s11;
	[sflag:s3] =	ssyncset.done $0x0  }
0xb: {  	s7 =	simm.s32 $0x1;
	s31 =	smax.u32 s10, $0x1;
	[sflag:s3] =	ssyncadd.s32 $0xFFFFFFE0  }
0xc: {  	[tilespmem:s6], [sflag:$0x1] =	stream.indirect.gather [hbm4b:s5+s6], $0x40, s2, s6, $0xb8;
	[tilespmem:$0x820] =	vst v63  }
0xd: {  	p0 =	sne.s32 s31, $0x1;
	_ =	swait.ge [sflag:s7], $0x800  }
.Ltmp0:
0xe: {  	s9 =	sshll.u32 s9, $0x3;
	[sflag:s7] =	ssyncset.done $0x0;
	(pc) =	sbr.rel @!p0 .LBB2_2-.Ltmp0, $4  }
0xf: {  	s8 =	sadd.s32 s8, s9;
	[sflag:s7] =	ssyncadd.s32 $0xFFFFF800  }
0x10: {  	[hbm4b:s8+s2] =	stream.linear.scatter [tilespmem:s6], [sflag:$0x2], $0x800, $0x38;
	[tilespmem:$0x820] =	vst v63  }
0x11: {  	_ =	swait.ge [sflag:s3], $0x800  }
0x12: {  	s9 =	sadd.s32 $0xFFFFFFFF, s31;
	[sflag:s3] =	ssyncset.done $0x0  }
.LBB2_1:
0x13: {  	p0 =	sne.s32 s9, $0x1;
	s9 =	sadd.s32 $0xFFFFFFFF, s9;
	[sflag:s3] =	ssyncadd.s32 $0xFFFFF800  }
0x14: {  	[tilespmem:s2], [sflag:$0x2] =	stream.linear.gather [hbm4b:s4+s2], $0x20, $0x38;
	[tilespmem:$0x820] =	vst v63  }
0x15: {  	_ =	swait.ge [sflag:s3], $0x20  }
0x16: {  	[sflag:s3] =	ssyncset.done $0x0  }
0x17: {  	[sflag:s3] =	ssyncadd.s32 $0xFFFFFFE0  }
0x18: {  	[tilespmem:s6], [sflag:$0x1] =	stream.indirect.gather [hbm4b:s5+s6], $0x40, s2, s6, $0xb8;
	[tilespmem:$0x820] =	vst v63  }
0x19: {  	_ =	swait.ge [sflag:s7], $0x800  }
.Ltmp1:
0x1a: {  	[sflag:s7] =	ssyncset.done $0x0;
	(pc) =	sbr.rel @p0 .LBB2_1-.Ltmp1, $4  }
0x1b: {  	[sflag:s7] =	ssyncadd.s32 $0xFFFFF800  }
0x1c: {  	[hbm4b:s8+s2] =	stream.linear.scatter [tilespmem:s6], [sflag:$0x2], $0x800, $0x38;
	[tilespmem:$0x820] =	vst v63  }
0x1d: {  	_ =	swait.ge [sflag:s3], $0x800  }
0x1e: {  	[sflag:s3] =	ssyncset.done $0x0  }
.LBB2_2:
0x1f: {  	[sflag:s3] =	ssyncadd.s32 $0xFFFFF800  }
0x20: {  	_ =	sfence.sel $0x180000  }
0x21: {  	[bflag:$0x0] =	sbarrier.arrive $0xFFFF  }
0x22: {  	p0 =	sne.s32 s0, $0x0;
	_ =	strace $0x90000047  }
0x23: {  	s0 =	sadd.s32 @!p0 $0x100000, s1;
	[bflag:$0x2] =	sbarrier.arrive $0xFFFF  }
0x24: {  	[sflag:s0] =	ssyncadd.tile.s32 @!p0 $0x1;
	_ =	shalt  }
.Lfunc_end2:
_tile_overlayer_lowered:
.L_overlay_start_2:
0x25: {  	(tag) =	ssettag $0x2  }
0x26: {  	s0 =	rddreg [dreg:$0x0];
	s2 =	stileid.u32  }
0x27: {  	s1 =	rddreg [dreg:$0x1];
	p0 =	sne.s32 s2, $0x0  }
0x28: {  	s3 =	rddreg [dreg:$0x2];
	[bflag:$0x3] =	sbarrier.arrive $0xFFFF;
	s2 =	simm.s32 @!p0 $0x1C02  }
0x29: {  	[timem:s3], [sflag:s2] =	dma.local @!p0 [hbm:s0], s1  }
0x2a: {  	s0 =	simm.s32 @!p0 $0x2  }
0x2b: {  	_ =	swait.ge @!p0 [sflag:s0], s1  }
0x2c: {  	s1 =	ssub.s32 @!p0 $0x0, s1;
	[sflag:s0] =	ssyncset.done @!p0 $0x0  }
0x2d: {  	[sflag:s0] =	ssyncadd.s32 @!p0 s1  }
0x2e: {  	[bflag:$0x3] =	sbarrier.arrive $0xFFFF  }
0x2f: {  	_ =	shalt  }

</sc_bundles>
